<compile_context>
chip_gen: v7x
topology: tpu7x:2x2x1
jax: 0.10.2.dev20260603
libtpu: 0.0.44.dev20260713+nightly
codegen_flags: <defaults>
</compile_context>

<pallas_src>
import functools

import jax
import jax.numpy as jnp
from jax import lax
from jax.experimental import pallas as pl
from jax.experimental.pallas import tpu as pltpu
from jax.experimental.pallas import tpu_sc as plsc

N_PAD = 10240
H = 64
NUM_SEG = 64
CHUNK = 128
NUM_WORKERS = 32
ROWS_PER_SUB = N_PAD // 16


def _sc_aggregate(y, ei, zeros):
    E = ei.shape[1]
    D = y.shape[1]
    nchunk = E // CHUNK
    per_tile = nchunk // NUM_WORKERS
    extra = nchunk - per_tile * NUM_WORKERS
    iters = per_tile + (1 if extra else 0)
    mesh = plsc.VectorSubcoreMesh(core_axis_name="c", subcore_axis_name="s")

    @functools.partial(
        pl.kernel,
        mesh=mesh,
        out_type=jax.ShapeDtypeStruct((2, N_PAD, D), jnp.float32),
        scratch_types=[
            pltpu.VMEM((2, CHUNK), jnp.int32),
            pltpu.VMEM((CHUNK, D), jnp.float32),
            pltpu.VMEM_SHARED((N_PAD, D), jnp.float32),
            pltpu.SemaphoreType.DMA,
        ],
        compiler_params=pltpu.CompilerParams(use_tc_tiling_on_sc=False),
    )
    def agg(ei_hbm, y_hbm, z_hbm, out_hbm, idx_v, rows_v, acc_sh, sem):
        c = lax.axis_index("c")
        s = lax.axis_index("s")
        wid = c * 16 + s
        my_start = wid * per_tile + jnp.minimum(wid, extra)
        my_count = per_tile + jnp.where(wid < extra, 1, 0)
        pltpu.sync_copy(z_hbm.at[pl.ds(s * ROWS_PER_SUB, ROWS_PER_SUB)],
                        acc_sh.at[pl.ds(s * ROWS_PER_SUB, ROWS_PER_SUB)])
        plsc.subcore_barrier()

        def body(j, carry):
            k = my_start + j

            @pl.when(j < my_count)
            def _():
                base = k * CHUNK
                pltpu.sync_copy(ei_hbm.at[:, pl.ds(base, CHUNK)], idx_v)
                pltpu.async_copy(y_hbm.at[idx_v.at[0]], rows_v, sem).wait()
                pltpu.sync_copy(rows_v, acc_sh.at[idx_v.at[1]], add=True)

            return carry

        lax.fori_loop(0, iters, body, 0)
        plsc.subcore_barrier()
        pltpu.sync_copy(acc_sh.at[pl.ds(s * ROWS_PER_SUB, ROWS_PER_SUB)],
                        out_hbm.at[c, pl.ds(s * ROWS_PER_SUB, ROWS_PER_SUB)])

    return agg(ei, y, zeros)


def _tc_gin(x, a0, a1, w1, b1, w2, b2):
    BR = 1024
    K = x.shape[1]

    def body(x_ref, a0_ref, a1_ref, w1_ref, b1_ref, w2_ref, b2_ref, o_ref):
        t = x_ref[...] + (a0_ref[...] + a1_ref[...])
        u = jnp.maximum(jnp.dot(t, w1_ref[...],
                                preferred_element_type=jnp.float32)
                        + b1_ref[...], 0.0)
        o_ref[...] = jnp.maximum(jnp.dot(u, w2_ref[...],
                                         preferred_element_type=jnp.float32)
                                 + b2_ref[...], 0.0)

    row = pl.BlockSpec((BR, K), lambda i: (i, 0))
    return pl.pallas_call(
        body,
        grid=(N_PAD // BR,),
        in_specs=[
            row, row, row,
            pl.BlockSpec((K, H), lambda i: (0, 0)),
            pl.BlockSpec((1, H), lambda i: (0, 0)),
            pl.BlockSpec((H, H), lambda i: (0, 0)),
            pl.BlockSpec((1, H), lambda i: (0, 0)),
        ],
        out_specs=pl.BlockSpec((BR, H), lambda i: (i, 0)),
        out_shape=jax.ShapeDtypeStruct((N_PAD, H), jnp.float32),
    )(x, a0, a1, w1, b1.reshape(1, H), w2, b2.reshape(1, H))


def _tc_final(x, a0, a1, w1, b1, w2, b2, batch2d, wa, ba, wp, bp, wc1, bc1,
              wc2, bc2, n_valid, out_dim):

    def body(x_ref, a0_ref, a1_ref, w1_ref, b1_ref, w2_ref, b2_ref,
             batch_ref, wa_ref, ba_ref, wp_ref, bp_ref, wc1_ref, bc1_ref,
             wc2_ref, bc2_ref, logits_ref, ge_ref, h_ref, scores_ref):
        t = x_ref[...] + (a0_ref[...] + a1_ref[...])
        u = jnp.maximum(jnp.dot(t, w1_ref[...],
                                preferred_element_type=jnp.float32)
                        + b1_ref[...], 0.0)
        h = jnp.maximum(jnp.dot(u, w2_ref[...],
                                preferred_element_type=jnp.float32)
                        + b2_ref[...], 0.0)
        h_ref[...] = h

        valid = (lax.broadcasted_iota(jnp.int32, (N_PAD, 1), 0) < n_valid)
        seg_ids = lax.broadcasted_iota(jnp.int32, (1, NUM_SEG), 1)
        onehot = jnp.logical_and(batch_ref[...] == seg_ids, valid)
        onehot_f = onehot.astype(jnp.float32)
        neg_inf = jnp.float32(-jnp.inf)

        def seg_softmax(logits):
            lg = jnp.where(valid, logits, 0.0)
            m = jnp.max(jnp.where(onehot, lg, neg_inf), axis=0,
                        keepdims=True)
            m = jnp.where(jnp.isfinite(m), m, 0.0)
            m_node = jnp.sum(onehot_f * m, axis=1, keepdims=True)
            e = jnp.exp(lg - m_node)
            e = jnp.where(valid, e, 0.0)
            d = jnp.sum(onehot_f * e, axis=0, keepdims=True)
            d_node = jnp.sum(onehot_f * d, axis=1, keepdims=True)
            return e / (d_node + 1e-16)

        sa = jnp.dot(h, wa_ref[...], preferred_element_type=jnp.float32) \
            + ba_ref[...]
        sp = jnp.dot(h, wp_ref[...], preferred_element_type=jnp.float32) \
            + bp_ref[...]
        scores_ref[...] = seg_softmax(sa)
        attn = seg_softmax(sp)

        ge = lax.dot_general(onehot_f, attn * h, (((0,), (0,)), ((), ())),
                             preferred_element_type=jnp.float32)
        ge_ref[...] = ge
        hc = jnp.maximum(jnp.dot(ge, wc1_ref[...],
                                 preferred_element_type=jnp.float32)
                         + bc1_ref[...], 0.0)
        logits_ref[...] = jnp.dot(hc, wc2_ref[...],
                                  preferred_element_type=jnp.float32) \
            + bc2_ref[...]

    return pl.pallas_call(
        body,
        out_shape=(
            jax.ShapeDtypeStruct((NUM_SEG, out_dim), jnp.float32),
            jax.ShapeDtypeStruct((NUM_SEG, H), jnp.float32),
            jax.ShapeDtypeStruct((N_PAD, H), jnp.float32),
            jax.ShapeDtypeStruct((N_PAD, 1), jnp.float32),
        ),
        compiler_params=pltpu.CompilerParams(
            vmem_limit_bytes=100 * 1024 * 1024),
    )(x, a0, a1, w1, b1.reshape(1, H), w2, b2.reshape(1, H), batch2d,
      wa, ba.reshape(1, 1), wp, bp.reshape(1, 1), wc1, bc1.reshape(1, H),
      wc2, bc2.reshape(1, wc2.shape[1]))


def kernel(x, edge_index, batch, w1a, b1a, w2a, b2a, w1b, b1b, w2b, b2b,
           w1c, b1c, w2c, b2c, wa, ba, wp, bp, wc1, bc1, wc2, bc2):
    n = x.shape[0]
    d_in = x.shape[1]
    perm = jnp.argsort(edge_index[1], stable=True)
    ei_sorted = edge_index[:, perm]
    x_pad = jnp.pad(x, ((0, N_PAD - n), (0, 0)))
    batch2d = jnp.pad(batch, (0, N_PAD - n),
                      constant_values=NUM_SEG).reshape(N_PAD, 1)
    zeros_in = jnp.zeros((N_PAD, d_in), jnp.float32)
    zeros_h = jnp.zeros((N_PAD, H), jnp.float32)

    a = _sc_aggregate(x_pad, ei_sorted, zeros_in)
    h1 = _tc_gin(x_pad, a[0], a[1], w1a, b1a, w2a, b2a)
    a = _sc_aggregate(h1, ei_sorted, zeros_h)
    h2 = _tc_gin(h1, a[0], a[1], w1b, b1b, w2b, b2b)
    a = _sc_aggregate(h2, ei_sorted, zeros_h)
    logits, ge, h3, scores = _tc_final(
        h2, a[0], a[1], w1c, b1c, w2c, b2c, batch2d, wa, ba, wp, bp,
        wc1, bc1, wc2, bc2, n, wc2.shape[1])
    return (logits, ge, h3[:n], scores[:n])

# --- scband reference (transcript-rebuilt; emitter-appended) ---
"""Pipeline reference for scband-causal-gnnwith-cross-view-75514114998663 (READ-ONLY COPY).

The authoritative reference and input builder live on the scoring server;
editing this copy changes nothing except your own understanding.
"""

import jax, jax.numpy as jnp
import numpy as np

N = 10000
E = 320000
D_IN = 128
H = 64
G = 64
OUT = 3

def _seg_softmax(logits, seg, num_segments):
    m = jax.ops.segment_max(logits, seg, num_segments=num_segments)
    m = jnp.where(jnp.isfinite(m), m, 0.0)
    e = jnp.exp(logits - m[seg])
    d = jax.ops.segment_sum(e, seg, num_segments=num_segments)
    return e / (d[seg] + 1e-16)

def _gin_layer(x, src, dst, W1, b1, W2, b2):
    # GIN aggregation with eps=0: h = MLP(x + sum_{j in N(i)} x_j)
    agg = jnp.zeros(x.shape, x.dtype).at[dst].add(x[src])
    h = x + agg
    h = jnp.maximum(h @ W1 + b1, 0.0)
    h = h @ W2 + b2
    return jnp.maximum(h, 0.0)

def setup_inputs(seed: int = 0):
    key = jax.random.key(seed)
    ks = jax.random.split(key, 32)
    inp = {}
    inp['x'] = jax.random.normal(ks[0], (N, D_IN), dtype=jnp.float32)
    inp['edge_index'] = jax.random.randint(ks[1], (2, E), 0, N)
    inp['batch'] = jnp.sort(jax.random.randint(ks[2], (N,), 0, G))
    def lin(k, fi, fo):
        return jax.random.normal(k, (fi, fo), dtype=jnp.float32) / np.sqrt(fi)
    inp['w1a'] = lin(ks[3], D_IN, H); inp['b1a'] = jnp.zeros((H,), jnp.float32)
    inp['w2a'] = lin(ks[4], H, H);    inp['b2a'] = jnp.zeros((H,), jnp.float32)
    inp['w1b'] = lin(ks[5], H, H);    inp['b1b'] = jnp.zeros((H,), jnp.float32)
    inp['w2b'] = lin(ks[6], H, H);    inp['b2b'] = jnp.zeros((H,), jnp.float32)
    inp['w1c'] = lin(ks[7], H, H);    inp['b1c'] = jnp.zeros((H,), jnp.float32)
    inp['w2c'] = lin(ks[8], H, H);    inp['b2c'] = jnp.zeros((H,), jnp.float32)
    inp['wa'] = lin(ks[9], H, 1);     inp['ba'] = jnp.zeros((1,), jnp.float32)
    inp['wp'] = lin(ks[10], H, 1);    inp['bp'] = jnp.zeros((1,), jnp.float32)
    inp['wc1'] = lin(ks[11], H, H);   inp['bc1'] = jnp.zeros((H,), jnp.float32)
    inp['wc2'] = lin(ks[12], H, OUT); inp['bc2'] = jnp.zeros((OUT,), jnp.float32)
    return inp

def reference(x, edge_index, batch, w1a, b1a, w2a, b2a, w1b, b1b, w2b, b2b, w1c, b1c, w2c, b2c, wa, ba, wp, bp, wc1, bc1, wc2, bc2):
    # forward_single_view: GIN encode -> causal attention scores -> attention pooling -> classifier
    src = edge_index[0]
    dst = edge_index[1]
    h = _gin_layer(x, src, dst, w1a, b1a, w2a, b2a)
    h = _gin_layer(h, src, dst, w1b, b1b, w2b, b2b)
    h = _gin_layer(h, src, dst, w1c, b1c, w2c, b2c)
    scores = _seg_softmax(h @ wa + ba, batch, G)          # causal attention scores [N, 1]
    attn = _seg_softmax(h @ wp + bp, batch, G)            # pooling attention [N, 1]
    graph_embed = jax.ops.segment_sum(attn * h, batch, num_segments=G)  # [G, H]
    hc = jnp.maximum(graph_embed @ wc1 + bc1, 0.0)
    logits = hc @ wc2 + bc2                               # [G, OUT]
    return (logits, graph_embed, h, scores)

if __name__ == "__main__":
    import jax
    _d = setup_inputs()
    print(jax.jit(kernel)(*tuple(_d.values())))

</pallas_src>

<mosaic_0001>
#map = affine_map<(d0, d1) -> (0, 0)>
#map1 = affine_map<(d0, d1) -> (0, 0, 0)>
module attributes {stable_mosaic.version = 14 : i64} {
  func.func @agg(%arg0: i32, %arg1: i32, %arg2: memref<2x320000xi32, #tpu.memory_space<hbm>>, %arg3: memref<10240x64xf32, #tpu.memory_space<hbm>>, %arg4: memref<10240x64xf32, #tpu.memory_space<hbm>>, %arg5: memref<2x10240x64xf32, #tpu.memory_space<hbm>>, %arg6: memref<2x128xi32, #tpu.memory_space<vmem>>, %arg7: memref<128x64xf32, #tpu.memory_space<vmem>>, %arg8: memref<10240x64xf32, #tpu.memory_space<vmem_shared>>, %arg9: memref<!tpu.dma_semaphore, #tpu.memory_space<semaphore_mem>>) attributes {dimension_semantics = [#tpu.dimension_semantics<core_parallel>, #tpu.dimension_semantics<subcore_parallel>], iteration_bounds = array<i64: 2, 16>, scalar_prefetch = 0 : i64, scratch_operands = 4 : i64, tpu.core_type = #tpu.core_type<sc_vector_subcore>, window_params = [{transform_indices = #map}, {transform_indices = #map}, {transform_indices = #map}, {transform_indices = #map1}]} {
    %mul3A = arith.constant 16 : i32
    %mul3A_0 = arith.muli %arg0, %mul3A : i32
    %add3A = arith.addi %mul3A_0, %arg1 : i32
    %mul3A_1 = arith.constant 78 : i32
    %mul3A_2 = arith.muli %add3A, %mul3A_1 : i32
    %min3A = arith.constant 4 : i32
    %min3A_3 = arith.minsi %add3A, %min3A : i32
    %add3A_4 = arith.addi %mul3A_2, %min3A_3 : i32
    %lt3A = arith.constant 4 : i32
    %lt3A_5 = arith.cmpi slt, %add3A, %lt3A : i32
    %jit3A = arith.constant 1 : i32
    %jit3A_6 = arith.constant 0 : i32
    %select_n3A = arith.select %lt3A_5, %jit3A, %jit3A_6 : i32
    %add3A_7 = arith.constant 78 : i32
    %add3A_8 = arith.addi %add3A_7, %select_n3A : i32
    %mul3A_9 = arith.constant 640 : i32
    %mul3A_10 = arith.muli %arg1, %mul3A_9 : i32
    %mul3A_11 = arith.constant 640 : i32
    %mul3A_12 = arith.muli %arg1, %mul3A_11 : i32
    "tpu.region"() ({
      %run_scoped3A = tpu.sem_alloc : memref<!tpu.dma_semaphore, #tpu.memory_space<semaphore_mem>>
      %dma_start3A = arith.constant 0 : i32
      %dma_start3A_23 = tpu.memref_slice %arg8[%mul3A_12, %dma_start3A] : memref<10240x64xf32, #tpu.memory_space<vmem_shared>> -> memref<640x64xf32, #tpu.memory_space<vmem_shared>>
      %dma_start3A_24 = arith.constant 0 : i32
      %dma_start3A_25 = tpu.memref_slice %arg4[%mul3A_10, %dma_start3A_24] : memref<10240x64xf32, #tpu.memory_space<hbm>> -> memref<640x64xf32, #tpu.memory_space<hbm>>
      tpu.enqueue_dma source(%dma_start3A_25 : memref<640x64xf32, #tpu.memory_space<hbm>>) target(%dma_start3A_23 : memref<640x64xf32, #tpu.memory_space<vmem_shared>>) target_semaphore(%run_scoped3A : memref<!tpu.dma_semaphore, #tpu.memory_space<semaphore_mem>>)
      %dma_wait3A = arith.constant 0 : i32
      %dma_wait3A_26 = tpu.memref_slice %arg8[%mul3A_12, %dma_wait3A] : memref<10240x64xf32, #tpu.memory_space<vmem_shared>> -> memref<640x64xf32, #tpu.memory_space<vmem_shared>>
      %dma_wait3A_27 = arith.constant 0 : i32
      %dma_wait3A_28 = tpu.memref_slice %arg4[%mul3A_10, %dma_wait3A_27] : memref<10240x64xf32, #tpu.memory_space<hbm>> -> memref<640x64xf32, #tpu.memory_space<hbm>>
      tpu.wait_dma2 semaphore(%run_scoped3A : memref<!tpu.dma_semaphore, #tpu.memory_space<semaphore_mem>>) src(%dma_wait3A_28 : memref<640x64xf32, #tpu.memory_space<hbm>>) dst(%dma_wait3A_26 : memref<640x64xf32, #tpu.memory_space<vmem_shared>>)
      tpu.yield
    }) : () -> ()
    %barrier3A = arith.constant 0 : index
    tpu.barrier barrier_id(%barrier3A)
    %scan3A = arith.constant 0 : i32
    %scan3A_13 = arith.constant 0 : i32
    %scan3A_14 = arith.constant 79 : i32
    %scan3A_15 = arith.addi %scan3A_13, %scan3A_14 : i32
    %scan3A_16 = arith.constant 1 : i32
    scf.for %scan3A_23 = %scan3A_13 to %scan3A_15 step %scan3A_16  : i32 {
      %add3A_24 = arith.addi %add3A_4, %scan3A_23 : i32
      %lt3A_25 = arith.cmpi slt, %scan3A_23, %add3A_8 : i32
      %convert_element_type3A = arith.extui %lt3A_25 : i1 to i32
      %cond3A = arith.constant 0 : i32
      %cond3A_26 = arith.cmpi ne, %convert_element_type3A, %cond3A : i32
      scf.if %cond3A_26 {
        %mul3A_27 = arith.constant 128 : i32
        %mul3A_28 = arith.muli %add3A_24, %mul3A_27 : i32
        "tpu.region"() ({
          %run_scoped3A_41 = tpu.sem_alloc : memref<!tpu.dma_semaphore, #tpu.memory_space<semaphore_mem>>
          %dma_start3A_42 = arith.constant 0 : i32
          %dma_start3A_43 = tpu.memref_slice %arg2[%dma_start3A_42, %mul3A_28] : memref<2x320000xi32, #tpu.memory_space<hbm>> -> memref<2x128xi32, #tpu.memory_space<hbm>>
          %dma_start3A_44 = arith.constant 0 : i32
          %dma_start3A_45 = tpu.memref_slice %arg2[%dma_start3A_44, %mul3A_28] : memref<2x320000xi32, #tpu.memory_space<hbm>> -> memref<2x128xi32, #tpu.memory_space<hbm>>
          tpu.enqueue_dma source(%dma_start3A_45 : memref<2x128xi32, #tpu.memory_space<hbm>>) target(%arg6 : memref<2x128xi32, #tpu.memory_space<vmem>>) target_semaphore(%run_scoped3A_41 : memref<!tpu.dma_semaphore, #tpu.memory_space<semaphore_mem>>)
          %dma_wait3A_46 = arith.constant 0 : i32
          %dma_wait3A_47 = tpu.memref_slice %arg2[%dma_wait3A_46, %mul3A_28] : memref<2x320000xi32, #tpu.memory_space<hbm>> -> memref<2x128xi32, #tpu.memory_space<hbm>>
          %dma_wait3A_48 = arith.constant 0 : i32
          %dma_wait3A_49 = tpu.memref_slice %arg2[%dma_wait3A_48, %mul3A_28] : memref<2x320000xi32, #tpu.memory_space<hbm>> -> memref<2x128xi32, #tpu.memory_space<hbm>>
          tpu.wait_dma2 semaphore(%run_scoped3A_41 : memref<!tpu.dma_semaphore, #tpu.memory_space<semaphore_mem>>) src(%dma_wait3A_49 : memref<2x128xi32, #tpu.memory_space<hbm>>) dst(%arg6 : memref<2x128xi32, #tpu.memory_space<vmem>>)
          tpu.yield
        }) : () -> ()
        %dma_start3A = arith.constant 0 : i32
        %dma_start3A_29 = arith.constant 0 : i32
        %dma_start3A_30 = tpu.memref_slice %arg6[%dma_start3A, %dma_start3A_29] : memref<2x128xi32, #tpu.memory_space<vmem>> -> memref<1x128xi32, #tpu.memory_space<vmem>>
        %dma_start3A_31 = tpu.memref_squeeze %dma_start3A_30 : memref<1x128xi32, #tpu.memory_space<vmem>> -> memref<128xi32, #tpu.memory_space<vmem>>
        %dma_start3A_32 = arith.constant 0 : i32
        %dma_start3A_33 = arith.constant 0 : i32
        %dma_start3A_34 = tpu.memref_slice %arg3[%dma_start3A_32, %dma_start3A_33] : memref<10240x64xf32, #tpu.memory_space<hbm>> -> memref<10240x64xf32, #tpu.memory_space<hbm>>
        tpu.enqueue_indirect_dma source(%dma_start3A_34 : memref<10240x64xf32, #tpu.memory_space<hbm>>) target(%arg7 : memref<128x64xf32, #tpu.memory_space<vmem>>) offsets(%dma_start3A_31 : memref<128xi32, #tpu.memory_space<vmem>>) semaphore(%arg9 : memref<!tpu.dma_semaphore, #tpu.memory_space<semaphore_mem>>)
        %dma_wait3A = arith.constant 0 : i32
        %dma_wait3A_35 = arith.constant 0 : i32
        %dma_wait3A_36 = tpu.memref_slice %arg6[%dma_wait3A, %dma_wait3A_35] : memref<2x128xi32, #tpu.memory_space<vmem>> -> memref<1x128xi32, #tpu.memory_space<vmem>>
        %dma_wait3A_37 = tpu.memref_squeeze %dma_wait3A_36 : memref<1x128xi32, #tpu.memory_space<vmem>> -> memref<128xi32, #tpu.memory_space<vmem>>
        %dma_wait3A_38 = arith.constant 0 : i32
        %dma_wait3A_39 = arith.constant 0 : i32
        %dma_wait3A_40 = tpu.memref_slice %arg3[%dma_wait3A_38, %dma_wait3A_39] : memref<10240x64xf32, #tpu.memory_space<hbm>> -> memref<10240x64xf32, #tpu.memory_space<hbm>>
        tpu.wait_indirect_dma semaphore(%arg9 : memref<!tpu.dma_semaphore, #tpu.memory_space<semaphore_mem>>) src(%dma_wait3A_40 : memref<10240x64xf32, #tpu.memory_space<hbm>>) dst(%arg7 : memref<128x64xf32, #tpu.memory_space<vmem>>)
        %run_scoped3A = arith.constant 1 : i32
        "tpu.region"() ({
          %run_scoped3A_41 = tpu.sem_alloc : memref<!tpu.dma_semaphore, #tpu.memory_space<semaphore_mem>>
          %dma_start3A_42 = arith.constant 0 : i32
          %dma_start3A_43 = tpu.memref_slice %arg6[%run_scoped3A, %dma_start3A_42] : memref<2x128xi32, #tpu.memory_space<vmem>> -> memref<1x128xi32, #tpu.memory_space<vmem>>
          %dma_start3A_44 = tpu.memref_squeeze %dma_start3A_43 : memref<1x128xi32, #tpu.memory_space<vmem>> -> memref<128xi32, #tpu.memory_space<vmem>>
          %dma_start3A_45 = arith.constant 0 : i32
          %dma_start3A_46 = arith.constant 0 : i32
          %dma_start3A_47 = tpu.memref_slice %arg8[%dma_start3A_45, %dma_start3A_46] : memref<10240x64xf32, #tpu.memory_space<vmem_shared>> -> memref<10240x64xf32, #tpu.memory_space<vmem_shared>>
          tpu.enqueue_indirect_dma source(%arg7 : memref<128x64xf32, #tpu.memory_space<vmem>>) target(%dma_start3A_47 : memref<10240x64xf32, #tpu.memory_space<vmem_shared>>) offsets(%dma_start3A_44 : memref<128xi32, #tpu.memory_space<vmem>>) semaphore(%run_scoped3A_41 : memref<!tpu.dma_semaphore, #tpu.memory_space<semaphore_mem>>) {add = true}
          %dma_wait3A_48 = arith.constant 0 : i32
          %dma_wait3A_49 = tpu.memref_slice %arg6[%run_scoped3A, %dma_wait3A_48] : memref<2x128xi32, #tpu.memory_space<vmem>> -> memref<1x128xi32, #tpu.memory_space<vmem>>
          %dma_wait3A_50 = tpu.memref_squeeze %dma_wait3A_49 : memref<1x128xi32, #tpu.memory_space<vmem>> -> memref<128xi32, #tpu.memory_space<vmem>>
          %dma_wait3A_51 = arith.constant 0 : i32
          %dma_wait3A_52 = arith.constant 0 : i32
          %dma_wait3A_53 = tpu.memref_slice %arg8[%dma_wait3A_51, %dma_wait3A_52] : memref<10240x64xf32, #tpu.memory_space<vmem_shared>> -> memref<10240x64xf32, #tpu.memory_space<vmem_shared>>
          tpu.wait_indirect_dma semaphore(%run_scoped3A_41 : memref<!tpu.dma_semaphore, #tpu.memory_space<semaphore_mem>>) src(%arg7 : memref<128x64xf32, #tpu.memory_space<vmem>>) dst(%dma_wait3A_53 : memref<10240x64xf32, #tpu.memory_space<vmem_shared>>)
          tpu.yield
        }) : () -> ()
      } else {
      }
    }
    %scan3A_17 = arith.constant 79 : i32
    %barrier3A_18 = arith.constant 0 : index
    tpu.barrier barrier_id(%barrier3A_18)
    %mul3A_19 = arith.constant 640 : i32
    %mul3A_20 = arith.muli %arg1, %mul3A_19 : i32
    %mul3A_21 = arith.constant 640 : i32
    %mul3A_22 = arith.muli %arg1, %mul3A_21 : i32
    "tpu.region"() ({
      %run_scoped3A = tpu.sem_alloc : memref<!tpu.dma_semaphore, #tpu.memory_space<semaphore_mem>>
      %dma_start3A = arith.constant 0 : i32
      %dma_start3A_23 = tpu.memref_slice %arg5[%arg0, %mul3A_22, %dma_start3A] : memref<2x10240x64xf32, #tpu.memory_space<hbm>> -> memref<1x640x64xf32, #tpu.memory_space<hbm>>
      %dma_start3A_24 = tpu.memref_squeeze %dma_start3A_23 : memref<1x640x64xf32, #tpu.memory_space<hbm>> -> memref<640x64xf32, #tpu.memory_space<hbm>>
      %dma_start3A_25 = arith.constant 0 : i32
      %dma_start3A_26 = tpu.memref_slice %arg8[%mul3A_20, %dma_start3A_25] : memref<10240x64xf32, #tpu.memory_space<vmem_shared>> -> memref<640x64xf32, #tpu.memory_space<vmem_shared>>
      tpu.enqueue_dma source(%dma_start3A_26 : memref<640x64xf32, #tpu.memory_space<vmem_shared>>) target(%dma_start3A_24 : memref<640x64xf32, #tpu.memory_space<hbm>>) target_semaphore(%run_scoped3A : memref<!tpu.dma_semaphore, #tpu.memory_space<semaphore_mem>>)
      %dma_wait3A = arith.constant 0 : i32
      %dma_wait3A_27 = tpu.memref_slice %arg5[%arg0, %mul3A_22, %dma_wait3A] : memref<2x10240x64xf32, #tpu.memory_space<hbm>> -> memref<1x640x64xf32, #tpu.memory_space<hbm>>
      %dma_wait3A_28 = tpu.memref_squeeze %dma_wait3A_27 : memref<1x640x64xf32, #tpu.memory_space<hbm>> -> memref<640x64xf32, #tpu.memory_space<hbm>>
      %dma_wait3A_29 = arith.constant 0 : i32
      %dma_wait3A_30 = tpu.memref_slice %arg8[%mul3A_20, %dma_wait3A_29] : memref<10240x64xf32, #tpu.memory_space<vmem_shared>> -> memref<640x64xf32, #tpu.memory_space<vmem_shared>>
      tpu.wait_dma2 semaphore(%run_scoped3A : memref<!tpu.dma_semaphore, #tpu.memory_space<semaphore_mem>>) src(%dma_wait3A_30 : memref<640x64xf32, #tpu.memory_space<vmem_shared>>) dst(%dma_wait3A_28 : memref<640x64xf32, #tpu.memory_space<hbm>>)
      tpu.yield
    }) : () -> ()
    return
  }
}

#map = affine_map<(d0, d1) -> (0, 0)>
#map1 = affine_map<(d0, d1) -> (0, 0, 0)>
module attributes {stable_mosaic.version = 14 : i64} {
  func.func @agg(%arg0: i32, %arg1: i32, %arg2: memref<2x320000xi32, #tpu.memory_space<hbm>>, %arg3: memref<10240x128xf32, #tpu.memory_space<hbm>>, %arg4: memref<10240x128xf32, #tpu.memory_space<hbm>>, %arg5: memref<2x10240x128xf32, #tpu.memory_space<hbm>>, %arg6: memref<2x128xi32, #tpu.memory_space<vmem>>, %arg7: memref<128x128xf32, #tpu.memory_space<vmem>>, %arg8: memref<10240x128xf32, #tpu.memory_space<vmem_shared>>, %arg9: memref<!tpu.dma_semaphore, #tpu.memory_space<semaphore_mem>>) attributes {dimension_semantics = [#tpu.dimension_semantics<core_parallel>, #tpu.dimension_semantics<subcore_parallel>], iteration_bounds = array<i64: 2, 16>, scalar_prefetch = 0 : i64, scratch_operands = 4 : i64, tpu.core_type = #tpu.core_type<sc_vector_subcore>, window_params = [{transform_indices = #map}, {transform_indices = #map}, {transform_indices = #map}, {transform_indices = #map1}]} {
    %mul3A = arith.constant 16 : i32
    %mul3A_0 = arith.muli %arg0, %mul3A : i32
    %add3A = arith.addi %mul3A_0, %arg1 : i32
    %mul3A_1 = arith.constant 78 : i32
    %mul3A_2 = arith.muli %add3A, %mul3A_1 : i32
    %min3A = arith.constant 4 : i32
    %min3A_3 = arith.minsi %add3A, %min3A : i32
    %add3A_4 = arith.addi %mul3A_2, %min3A_3 : i32
    %lt3A = arith.constant 4 : i32
    %lt3A_5 = arith.cmpi slt, %add3A, %lt3A : i32
    %jit3A = arith.constant 1 : i32
    %jit3A_6 = arith.constant 0 : i32
    %select_n3A = arith.select %lt3A_5, %jit3A, %jit3A_6 : i32
    %add3A_7 = arith.constant 78 : i32
    %add3A_8 = arith.addi %add3A_7, %select_n3A : i32
    %mul3A_9 = arith.constant 640 : i32
    %mul3A_10 = arith.muli %arg1, %mul3A_9 : i32
    %mul3A_11 = arith.constant 640 : i32
    %mul3A_12 = arith.muli %arg1, %mul3A_11 : i32
    "tpu.region"() ({
      %run_scoped3A = tpu.sem_alloc : memref<!tpu.dma_semaphore, #tpu.memory_space<semaphore_mem>>
      %dma_start3A = arith.constant 0 : i32
      %dma_start3A_23 = tpu.memref_slice %arg8[%mul3A_12, %dma_start3A] : memref<10240x128xf32, #tpu.memory_space<vmem_shared>> -> memref<640x128xf32, #tpu.memory_space<vmem_shared>>
      %dma_start3A_24 = arith.constant 0 : i32
      %dma_start3A_25 = tpu.memref_slice %arg4[%mul3A_10, %dma_start3A_24] : memref<10240x128xf32, #tpu.memory_space<hbm>> -> memref<640x128xf32, #tpu.memory_space<hbm>>
      tpu.enqueue_dma source(%dma_start3A_25 : memref<640x128xf32, #tpu.memory_space<hbm>>) target(%dma_start3A_23 : memref<640x128xf32, #tpu.memory_space<vmem_shared>>) target_semaphore(%run_scoped3A : memref<!tpu.dma_semaphore, #tpu.memory_space<semaphore_mem>>)
      %dma_wait3A = arith.constant 0 : i32
      %dma_wait3A_26 = tpu.memref_slice %arg8[%mul3A_12, %dma_wait3A] : memref<10240x128xf32, #tpu.memory_space<vmem_shared>> -> memref<640x128xf32, #tpu.memory_space<vmem_shared>>
      %dma_wait3A_27 = arith.constant 0 : i32
      %dma_wait3A_28 = tpu.memref_slice %arg4[%mul3A_10, %dma_wait3A_27] : memref<10240x128xf32, #tpu.memory_space<hbm>> -> memref<640x128xf32, #tpu.memory_space<hbm>>
      tpu.wait_dma2 semaphore(%run_scoped3A : memref<!tpu.dma_semaphore, #tpu.memory_space<semaphore_mem>>) src(%dma_wait3A_28 : memref<640x128xf32, #tpu.memory_space<hbm>>) dst(%dma_wait3A_26 : memref<640x128xf32, #tpu.memory_space<vmem_shared>>)
      tpu.yield
    }) : () -> ()
    %barrier3A = arith.constant 0 : index
    tpu.barrier barrier_id(%barrier3A)
    %scan3A = arith.constant 0 : i32
    %scan3A_13 = arith.constant 0 : i32
    %scan3A_14 = arith.constant 79 : i32
    %scan3A_15 = arith.addi %scan3A_13, %scan3A_14 : i32
    %scan3A_16 = arith.constant 1 : i32
    scf.for %scan3A_23 = %scan3A_13 to %scan3A_15 step %scan3A_16  : i32 {
      %add3A_24 = arith.addi %add3A_4, %scan3A_23 : i32
      %lt3A_25 = arith.cmpi slt, %scan3A_23, %add3A_8 : i32
      %convert_element_type3A = arith.extui %lt3A_25 : i1 to i32
      %cond3A = arith.constant 0 : i32
      %cond3A_26 = arith.cmpi ne, %convert_element_type3A, %cond3A : i32
      scf.if %cond3A_26 {
        %mul3A_27 = arith.constant 128 : i32
        %mul3A_28 = arith.muli %add3A_24, %mul3A_27 : i32
        "tpu.region"() ({
          %run_scoped3A_41 = tpu.sem_alloc : memref<!tpu.dma_semaphore, #tpu.memory_space<semaphore_mem>>
          %dma_start3A_42 = arith.constant 0 : i32
          %dma_start3A_43 = tpu.memref_slice %arg2[%dma_start3A_42, %mul3A_28] : memref<2x320000xi32, #tpu.memory_space<hbm>> -> memref<2x128xi32, #tpu.memory_space<hbm>>
          %dma_start3A_44 = arith.constant 0 : i32
          %dma_start3A_45 = tpu.memref_slice %arg2[%dma_start3A_44, %mul3A_28] : memref<2x320000xi32, #tpu.memory_space<hbm>> -> memref<2x128xi32, #tpu.memory_space<hbm>>
          tpu.enqueue_dma source(%dma_start3A_45 : memref<2x128xi32, #tpu.memory_space<hbm>>) target(%arg6 : memref<2x128xi32, #tpu.memory_space<vmem>>) target_semaphore(%run_scoped3A_41 : memref<!tpu.dma_semaphore, #tpu.memory_space<semaphore_mem>>)
          %dma_wait3A_46 = arith.constant 0 : i32
          %dma_wait3A_47 = tpu.memref_slice %arg2[%dma_wait3A_46, %mul3A_28] : memref<2x320000xi32, #tpu.memory_space<hbm>> -> memref<2x128xi32, #tpu.memory_space<hbm>>
          %dma_wait3A_48 = arith.constant 0 : i32
          %dma_wait3A_49 = tpu.memref_slice %arg2[%dma_wait3A_48, %mul3A_28] : memref<2x320000xi32, #tpu.memory_space<hbm>> -> memref<2x128xi32, #tpu.memory_space<hbm>>
          tpu.wait_dma2 semaphore(%run_scoped3A_41 : memref<!tpu.dma_semaphore, #tpu.memory_space<semaphore_mem>>) src(%dma_wait3A_49 : memref<2x128xi32, #tpu.memory_space<hbm>>) dst(%arg6 : memref<2x128xi32, #tpu.memory_space<vmem>>)
          tpu.yield
        }) : () -> ()
        %dma_start3A = arith.constant 0 : i32
        %dma_start3A_29 = arith.constant 0 : i32
        %dma_start3A_30 = tpu.memref_slice %arg6[%dma_start3A, %dma_start3A_29] : memref<2x128xi32, #tpu.memory_space<vmem>> -> memref<1x128xi32, #tpu.memory_space<vmem>>
        %dma_start3A_31 = tpu.memref_squeeze %dma_start3A_30 : memref<1x128xi32, #tpu.memory_space<vmem>> -> memref<128xi32, #tpu.memory_space<vmem>>
        %dma_start3A_32 = arith.constant 0 : i32
        %dma_start3A_33 = arith.constant 0 : i32
        %dma_start3A_34 = tpu.memref_slice %arg3[%dma_start3A_32, %dma_start3A_33] : memref<10240x128xf32, #tpu.memory_space<hbm>> -> memref<10240x128xf32, #tpu.memory_space<hbm>>
        tpu.enqueue_indirect_dma source(%dma_start3A_34 : memref<10240x128xf32, #tpu.memory_space<hbm>>) target(%arg7 : memref<128x128xf32, #tpu.memory_space<vmem>>) offsets(%dma_start3A_31 : memref<128xi32, #tpu.memory_space<vmem>>) semaphore(%arg9 : memref<!tpu.dma_semaphore, #tpu.memory_space<semaphore_mem>>)
        %dma_wait3A = arith.constant 0 : i32
        %dma_wait3A_35 = arith.constant 0 : i32
        %dma_wait3A_36 = tpu.memref_slice %arg6[%dma_wait3A, %dma_wait3A_35] : memref<2x128xi32, #tpu.memory_space<vmem>> -> memref<1x128xi32, #tpu.memory_space<vmem>>
        %dma_wait3A_37 = tpu.memref_squeeze %dma_wait3A_36 : memref<1x128xi32, #tpu.memory_space<vmem>> -> memref<128xi32, #tpu.memory_space<vmem>>
        %dma_wait3A_38 = arith.constant 0 : i32
        %dma_wait3A_39 = arith.constant 0 : i32
        %dma_wait3A_40 = tpu.memref_slice %arg3[%dma_wait3A_38, %dma_wait3A_39] : memref<10240x128xf32, #tpu.memory_space<hbm>> -> memref<10240x128xf32, #tpu.memory_space<hbm>>
        tpu.wait_indirect_dma semaphore(%arg9 : memref<!tpu.dma_semaphore, #tpu.memory_space<semaphore_mem>>) src(%dma_wait3A_40 : memref<10240x128xf32, #tpu.memory_space<hbm>>) dst(%arg7 : memref<128x128xf32, #tpu.memory_space<vmem>>)
        %run_scoped3A = arith.constant 1 : i32
        "tpu.region"() ({
          %run_scoped3A_41 = tpu.sem_alloc : memref<!tpu.dma_semaphore, #tpu.memory_space<semaphore_mem>>
          %dma_start3A_42 = arith.constant 0 : i32
          %dma_start3A_43 = tpu.memref_slice %arg6[%run_scoped3A, %dma_start3A_42] : memref<2x128xi32, #tpu.memory_space<vmem>> -> memref<1x128xi32, #tpu.memory_space<vmem>>
          %dma_start3A_44 = tpu.memref_squeeze %dma_start3A_43 : memref<1x128xi32, #tpu.memory_space<vmem>> -> memref<128xi32, #tpu.memory_space<vmem>>
          %dma_start3A_45 = arith.constant 0 : i32
          %dma_start3A_46 = arith.constant 0 : i32
          %dma_start3A_47 = tpu.memref_slice %arg8[%dma_start3A_45, %dma_start3A_46] : memref<10240x128xf32, #tpu.memory_space<vmem_shared>> -> memref<10240x128xf32, #tpu.memory_space<vmem_shared>>
          tpu.enqueue_indirect_dma source(%arg7 : memref<128x128xf32, #tpu.memory_space<vmem>>) target(%dma_start3A_47 : memref<10240x128xf32, #tpu.memory_space<vmem_shared>>) offsets(%dma_start3A_44 : memref<128xi32, #tpu.memory_space<vmem>>) semaphore(%run_scoped3A_41 : memref<!tpu.dma_semaphore, #tpu.memory_space<semaphore_mem>>) {add = true}
          %dma_wait3A_48 = arith.constant 0 : i32
          %dma_wait3A_49 = tpu.memref_slice %arg6[%run_scoped3A, %dma_wait3A_48] : memref<2x128xi32, #tpu.memory_space<vmem>> -> memref<1x128xi32, #tpu.memory_space<vmem>>
          %dma_wait3A_50 = tpu.memref_squeeze %dma_wait3A_49 : memref<1x128xi32, #tpu.memory_space<vmem>> -> memref<128xi32, #tpu.memory_space<vmem>>
          %dma_wait3A_51 = arith.constant 0 : i32
          %dma_wait3A_52 = arith.constant 0 : i32
          %dma_wait3A_53 = tpu.memref_slice %arg8[%dma_wait3A_51, %dma_wait3A_52] : memref<10240x128xf32, #tpu.memory_space<vmem_shared>> -> memref<10240x128xf32, #tpu.memory_space<vmem_shared>>
          tpu.wait_indirect_dma semaphore(%run_scoped3A_41 : memref<!tpu.dma_semaphore, #tpu.memory_space<semaphore_mem>>) src(%arg7 : memref<128x128xf32, #tpu.memory_space<vmem>>) dst(%dma_wait3A_53 : memref<10240x128xf32, #tpu.memory_space<vmem_shared>>)
          tpu.yield
        }) : () -> ()
      } else {
      }
    }
    %scan3A_17 = arith.constant 79 : i32
    %barrier3A_18 = arith.constant 0 : index
    tpu.barrier barrier_id(%barrier3A_18)
    %mul3A_19 = arith.constant 640 : i32
    %mul3A_20 = arith.muli %arg1, %mul3A_19 : i32
    %mul3A_21 = arith.constant 640 : i32
    %mul3A_22 = arith.muli %arg1, %mul3A_21 : i32
    "tpu.region"() ({
      %run_scoped3A = tpu.sem_alloc : memref<!tpu.dma_semaphore, #tpu.memory_space<semaphore_mem>>
      %dma_start3A = arith.constant 0 : i32
      %dma_start3A_23 = tpu.memref_slice %arg5[%arg0, %mul3A_22, %dma_start3A] : memref<2x10240x128xf32, #tpu.memory_space<hbm>> -> memref<1x640x128xf32, #tpu.memory_space<hbm>>
      %dma_start3A_24 = tpu.memref_squeeze %dma_start3A_23 : memref<1x640x128xf32, #tpu.memory_space<hbm>> -> memref<640x128xf32, #tpu.memory_space<hbm>>
      %dma_start3A_25 = arith.constant 0 : i32
      %dma_start3A_26 = tpu.memref_slice %arg8[%mul3A_20, %dma_start3A_25] : memref<10240x128xf32, #tpu.memory_space<vmem_shared>> -> memref<640x128xf32, #tpu.memory_space<vmem_shared>>
      tpu.enqueue_dma source(%dma_start3A_26 : memref<640x128xf32, #tpu.memory_space<vmem_shared>>) target(%dma_start3A_24 : memref<640x128xf32, #tpu.memory_space<hbm>>) target_semaphore(%run_scoped3A : memref<!tpu.dma_semaphore, #tpu.memory_space<semaphore_mem>>)
      %dma_wait3A = arith.constant 0 : i32
      %dma_wait3A_27 = tpu.memref_slice %arg5[%arg0, %mul3A_22, %dma_wait3A] : memref<2x10240x128xf32, #tpu.memory_space<hbm>> -> memref<1x640x128xf32, #tpu.memory_space<hbm>>
      %dma_wait3A_28 = tpu.memref_squeeze %dma_wait3A_27 : memref<1x640x128xf32, #tpu.memory_space<hbm>> -> memref<640x128xf32, #tpu.memory_space<hbm>>
      %dma_wait3A_29 = arith.constant 0 : i32
      %dma_wait3A_30 = tpu.memref_slice %arg8[%mul3A_20, %dma_wait3A_29] : memref<10240x128xf32, #tpu.memory_space<vmem_shared>> -> memref<640x128xf32, #tpu.memory_space<vmem_shared>>
      tpu.wait_dma2 semaphore(%run_scoped3A : memref<!tpu.dma_semaphore, #tpu.memory_space<semaphore_mem>>) src(%dma_wait3A_30 : memref<640x128xf32, #tpu.memory_space<vmem_shared>>) dst(%dma_wait3A_28 : memref<640x128xf32, #tpu.memory_space<hbm>>)
      tpu.yield
    }) : () -> ()
    return
  }
}

#map = affine_map<(d0, d1) -> (0, 0)>
#map1 = affine_map<(d0, d1) -> (0, 0, 0)>
module attributes {stable_mosaic.version = 14 : i64} {
  func.func @agg(%arg0: i32, %arg1: i32, %arg2: memref<2x320000xi32, #tpu.memory_space<hbm>>, %arg3: memref<10240x64xf32, #tpu.memory_space<hbm>>, %arg4: memref<10240x64xf32, #tpu.memory_space<hbm>>, %arg5: memref<2x10240x64xf32, #tpu.memory_space<hbm>>, %arg6: memref<2x128xi32, #tpu.memory_space<vmem>>, %arg7: memref<128x64xf32, #tpu.memory_space<vmem>>, %arg8: memref<10240x64xf32, #tpu.memory_space<vmem_shared>>, %arg9: memref<!tpu.dma_semaphore, #tpu.memory_space<semaphore_mem>>) attributes {dimension_semantics = [#tpu.dimension_semantics<core_parallel>, #tpu.dimension_semantics<subcore_parallel>], iteration_bounds = array<i64: 2, 16>, scalar_prefetch = 0 : i64, scratch_operands = 4 : i64, tpu.core_type = #tpu.core_type<sc_vector_subcore>, window_params = [{transform_indices = #map}, {transform_indices = #map}, {transform_indices = #map}, {transform_indices = #map1}]} {
    %mul3A = arith.constant 16 : i32
    %mul3A_0 = arith.muli %arg0, %mul3A : i32
    %add3A = arith.addi %mul3A_0, %arg1 : i32
    %mul3A_1 = arith.constant 78 : i32
    %mul3A_2 = arith.muli %add3A, %mul3A_1 : i32
    %min3A = arith.constant 4 : i32
    %min3A_3 = arith.minsi %add3A, %min3A : i32
    %add3A_4 = arith.addi %mul3A_2, %min3A_3 : i32
    %lt3A = arith.constant 4 : i32
    %lt3A_5 = arith.cmpi slt, %add3A, %lt3A : i32
    %jit3A = arith.constant 1 : i32
    %jit3A_6 = arith.constant 0 : i32
    %select_n3A = arith.select %lt3A_5, %jit3A, %jit3A_6 : i32
    %add3A_7 = arith.constant 78 : i32
    %add3A_8 = arith.addi %add3A_7, %select_n3A : i32
    %mul3A_9 = arith.constant 640 : i32
    %mul3A_10 = arith.muli %arg1, %mul3A_9 : i32
    %mul3A_11 = arith.constant 640 : i32
    %mul3A_12 = arith.muli %arg1, %mul3A_11 : i32
    "tpu.region"() ({
      %run_scoped3A = tpu.sem_alloc : memref<!tpu.dma_semaphore, #tpu.memory_space<semaphore_mem>>
      %dma_start3A = arith.constant 0 : i32
      %dma_start3A_23 = tpu.memref_slice %arg8[%mul3A_12, %dma_start3A] : memref<10240x64xf32, #tpu.memory_space<vmem_shared>> -> memref<640x64xf32, #tpu.memory_space<vmem_shared>>
      %dma_start3A_24 = arith.constant 0 : i32
      %dma_start3A_25 = tpu.memref_slice %arg4[%mul3A_10, %dma_start3A_24] : memref<10240x64xf32, #tpu.memory_space<hbm>> -> memref<640x64xf32, #tpu.memory_space<hbm>>
      tpu.enqueue_dma source(%dma_start3A_25 : memref<640x64xf32, #tpu.memory_space<hbm>>) target(%dma_start3A_23 : memref<640x64xf32, #tpu.memory_space<vmem_shared>>) target_semaphore(%run_scoped3A : memref<!tpu.dma_semaphore, #tpu.memory_space<semaphore_mem>>)
      %dma_wait3A = arith.constant 0 : i32
      %dma_wait3A_26 = tpu.memref_slice %arg8[%mul3A_12, %dma_wait3A] : memref<10240x64xf32, #tpu.memory_space<vmem_shared>> -> memref<640x64xf32, #tpu.memory_space<vmem_shared>>
      %dma_wait3A_27 = arith.constant 0 : i32
      %dma_wait3A_28 = tpu.memref_slice %arg4[%mul3A_10, %dma_wait3A_27] : memref<10240x64xf32, #tpu.memory_space<hbm>> -> memref<640x64xf32, #tpu.memory_space<hbm>>
      tpu.wait_dma2 semaphore(%run_scoped3A : memref<!tpu.dma_semaphore, #tpu.memory_space<semaphore_mem>>) src(%dma_wait3A_28 : memref<640x64xf32, #tpu.memory_space<hbm>>) dst(%dma_wait3A_26 : memref<640x64xf32, #tpu.memory_space<vmem_shared>>)
      tpu.yield
    }) : () -> ()
    %barrier3A = arith.constant 0 : index
    tpu.barrier barrier_id(%barrier3A)
    %scan3A = arith.constant 0 : i32
    %scan3A_13 = arith.constant 0 : i32
    %scan3A_14 = arith.constant 79 : i32
    %scan3A_15 = arith.addi %scan3A_13, %scan3A_14 : i32
    %scan3A_16 = arith.constant 1 : i32
    scf.for %scan3A_23 = %scan3A_13 to %scan3A_15 step %scan3A_16  : i32 {
      %add3A_24 = arith.addi %add3A_4, %scan3A_23 : i32
      %lt3A_25 = arith.cmpi slt, %scan3A_23, %add3A_8 : i32
      %convert_element_type3A = arith.extui %lt3A_25 : i1 to i32
      %cond3A = arith.constant 0 : i32
      %cond3A_26 = arith.cmpi ne, %convert_element_type3A, %cond3A : i32
      scf.if %cond3A_26 {
        %mul3A_27 = arith.constant 128 : i32
        %mul3A_28 = arith.muli %add3A_24, %mul3A_27 : i32
        "tpu.region"() ({
          %run_scoped3A_41 = tpu.sem_alloc : memref<!tpu.dma_semaphore, #tpu.memory_space<semaphore_mem>>
          %dma_start3A_42 = arith.constant 0 : i32
          %dma_start3A_43 = tpu.memref_slice %arg2[%dma_start3A_42, %mul3A_28] : memref<2x320000xi32, #tpu.memory_space<hbm>> -> memref<2x128xi32, #tpu.memory_space<hbm>>
          %dma_start3A_44 = arith.constant 0 : i32
          %dma_start3A_45 = tpu.memref_slice %arg2[%dma_start3A_44, %mul3A_28] : memref<2x320000xi32, #tpu.memory_space<hbm>> -> memref<2x128xi32, #tpu.memory_space<hbm>>
          tpu.enqueue_dma source(%dma_start3A_45 : memref<2x128xi32, #tpu.memory_space<hbm>>) target(%arg6 : memref<2x128xi32, #tpu.memory_space<vmem>>) target_semaphore(%run_scoped3A_41 : memref<!tpu.dma_semaphore, #tpu.memory_space<semaphore_mem>>)
          %dma_wait3A_46 = arith.constant 0 : i32
          %dma_wait3A_47 = tpu.memref_slice %arg2[%dma_wait3A_46, %mul3A_28] : memref<2x320000xi32, #tpu.memory_space<hbm>> -> memref<2x128xi32, #tpu.memory_space<hbm>>
          %dma_wait3A_48 = arith.constant 0 : i32
          %dma_wait3A_49 = tpu.memref_slice %arg2[%dma_wait3A_48, %mul3A_28] : memref<2x320000xi32, #tpu.memory_space<hbm>> -> memref<2x128xi32, #tpu.memory_space<hbm>>
          tpu.wait_dma2 semaphore(%run_scoped3A_41 : memref<!tpu.dma_semaphore, #tpu.memory_space<semaphore_mem>>) src(%dma_wait3A_49 : memref<2x128xi32, #tpu.memory_space<hbm>>) dst(%arg6 : memref<2x128xi32, #tpu.memory_space<vmem>>)
          tpu.yield
        }) : () -> ()
        %dma_start3A = arith.constant 0 : i32
        %dma_start3A_29 = arith.constant 0 : i32
        %dma_start3A_30 = tpu.memref_slice %arg6[%dma_start3A, %dma_start3A_29] : memref<2x128xi32, #tpu.memory_space<vmem>> -> memref<1x128xi32, #tpu.memory_space<vmem>>
        %dma_start3A_31 = tpu.memref_squeeze %dma_start3A_30 : memref<1x128xi32, #tpu.memory_space<vmem>> -> memref<128xi32, #tpu.memory_space<vmem>>
        %dma_start3A_32 = arith.constant 0 : i32
        %dma_start3A_33 = arith.constant 0 : i32
        %dma_start3A_34 = tpu.memref_slice %arg3[%dma_start3A_32, %dma_start3A_33] : memref<10240x64xf32, #tpu.memory_space<hbm>> -> memref<10240x64xf32, #tpu.memory_space<hbm>>
        tpu.enqueue_indirect_dma source(%dma_start3A_34 : memref<10240x64xf32, #tpu.memory_space<hbm>>) target(%arg7 : memref<128x64xf32, #tpu.memory_space<vmem>>) offsets(%dma_start3A_31 : memref<128xi32, #tpu.memory_space<vmem>>) semaphore(%arg9 : memref<!tpu.dma_semaphore, #tpu.memory_space<semaphore_mem>>)
        %dma_wait3A = arith.constant 0 : i32
        %dma_wait3A_35 = arith.constant 0 : i32
        %dma_wait3A_36 = tpu.memref_slice %arg6[%dma_wait3A, %dma_wait3A_35] : memref<2x128xi32, #tpu.memory_space<vmem>> -> memref<1x128xi32, #tpu.memory_space<vmem>>
        %dma_wait3A_37 = tpu.memref_squeeze %dma_wait3A_36 : memref<1x128xi32, #tpu.memory_space<vmem>> -> memref<128xi32, #tpu.memory_space<vmem>>
        %dma_wait3A_38 = arith.constant 0 : i32
        %dma_wait3A_39 = arith.constant 0 : i32
        %dma_wait3A_40 = tpu.memref_slice %arg3[%dma_wait3A_38, %dma_wait3A_39] : memref<10240x64xf32, #tpu.memory_space<hbm>> -> memref<10240x64xf32, #tpu.memory_space<hbm>>
        tpu.wait_indirect_dma semaphore(%arg9 : memref<!tpu.dma_semaphore, #tpu.memory_space<semaphore_mem>>) src(%dma_wait3A_40 : memref<10240x64xf32, #tpu.memory_space<hbm>>) dst(%arg7 : memref<128x64xf32, #tpu.memory_space<vmem>>)
        %run_scoped3A = arith.constant 1 : i32
        "tpu.region"() ({
          %run_scoped3A_41 = tpu.sem_alloc : memref<!tpu.dma_semaphore, #tpu.memory_space<semaphore_mem>>
          %dma_start3A_42 = arith.constant 0 : i32
          %dma_start3A_43 = tpu.memref_slice %arg6[%run_scoped3A, %dma_start3A_42] : memref<2x128xi32, #tpu.memory_space<vmem>> -> memref<1x128xi32, #tpu.memory_space<vmem>>
          %dma_start3A_44 = tpu.memref_squeeze %dma_start3A_43 : memref<1x128xi32, #tpu.memory_space<vmem>> -> memref<128xi32, #tpu.memory_space<vmem>>
          %dma_start3A_45 = arith.constant 0 : i32
          %dma_start3A_46 = arith.constant 0 : i32
          %dma_start3A_47 = tpu.memref_slice %arg8[%dma_start3A_45, %dma_start3A_46] : memref<10240x64xf32, #tpu.memory_space<vmem_shared>> -> memref<10240x64xf32, #tpu.memory_space<vmem_shared>>
          tpu.enqueue_indirect_dma source(%arg7 : memref<128x64xf32, #tpu.memory_space<vmem>>) target(%dma_start3A_47 : memref<10240x64xf32, #tpu.memory_space<vmem_shared>>) offsets(%dma_start3A_44 : memref<128xi32, #tpu.memory_space<vmem>>) semaphore(%run_scoped3A_41 : memref<!tpu.dma_semaphore, #tpu.memory_space<semaphore_mem>>) {add = true}
          %dma_wait3A_48 = arith.constant 0 : i32
          %dma_wait3A_49 = tpu.memref_slice %arg6[%run_scoped3A, %dma_wait3A_48] : memref<2x128xi32, #tpu.memory_space<vmem>> -> memref<1x128xi32, #tpu.memory_space<vmem>>
          %dma_wait3A_50 = tpu.memref_squeeze %dma_wait3A_49 : memref<1x128xi32, #tpu.memory_space<vmem>> -> memref<128xi32, #tpu.memory_space<vmem>>
          %dma_wait3A_51 = arith.constant 0 : i32
          %dma_wait3A_52 = arith.constant 0 : i32
          %dma_wait3A_53 = tpu.memref_slice %arg8[%dma_wait3A_51, %dma_wait3A_52] : memref<10240x64xf32, #tpu.memory_space<vmem_shared>> -> memref<10240x64xf32, #tpu.memory_space<vmem_shared>>
          tpu.wait_indirect_dma semaphore(%run_scoped3A_41 : memref<!tpu.dma_semaphore, #tpu.memory_space<semaphore_mem>>) src(%arg7 : memref<128x64xf32, #tpu.memory_space<vmem>>) dst(%dma_wait3A_53 : memref<10240x64xf32, #tpu.memory_space<vmem_shared>>)
          tpu.yield
        }) : () -> ()
      } else {
      }
    }
    %scan3A_17 = arith.constant 79 : i32
    %barrier3A_18 = arith.constant 0 : index
    tpu.barrier barrier_id(%barrier3A_18)
    %mul3A_19 = arith.constant 640 : i32
    %mul3A_20 = arith.muli %arg1, %mul3A_19 : i32
    %mul3A_21 = arith.constant 640 : i32
    %mul3A_22 = arith.muli %arg1, %mul3A_21 : i32
    "tpu.region"() ({
      %run_scoped3A = tpu.sem_alloc : memref<!tpu.dma_semaphore, #tpu.memory_space<semaphore_mem>>
      %dma_start3A = arith.constant 0 : i32
      %dma_start3A_23 = tpu.memref_slice %arg5[%arg0, %mul3A_22, %dma_start3A] : memref<2x10240x64xf32, #tpu.memory_space<hbm>> -> memref<1x640x64xf32, #tpu.memory_space<hbm>>
      %dma_start3A_24 = tpu.memref_squeeze %dma_start3A_23 : memref<1x640x64xf32, #tpu.memory_space<hbm>> -> memref<640x64xf32, #tpu.memory_space<hbm>>
      %dma_start3A_25 = arith.constant 0 : i32
      %dma_start3A_26 = tpu.memref_slice %arg8[%mul3A_20, %dma_start3A_25] : memref<10240x64xf32, #tpu.memory_space<vmem_shared>> -> memref<640x64xf32, #tpu.memory_space<vmem_shared>>
      tpu.enqueue_dma source(%dma_start3A_26 : memref<640x64xf32, #tpu.memory_space<vmem_shared>>) target(%dma_start3A_24 : memref<640x64xf32, #tpu.memory_space<hbm>>) target_semaphore(%run_scoped3A : memref<!tpu.dma_semaphore, #tpu.memory_space<semaphore_mem>>)
      %dma_wait3A = arith.constant 0 : i32
      %dma_wait3A_27 = tpu.memref_slice %arg5[%arg0, %mul3A_22, %dma_wait3A] : memref<2x10240x64xf32, #tpu.memory_space<hbm>> -> memref<1x640x64xf32, #tpu.memory_space<hbm>>
      %dma_wait3A_28 = tpu.memref_squeeze %dma_wait3A_27 : memref<1x640x64xf32, #tpu.memory_space<hbm>> -> memref<640x64xf32, #tpu.memory_space<hbm>>
      %dma_wait3A_29 = arith.constant 0 : i32
      %dma_wait3A_30 = tpu.memref_slice %arg8[%mul3A_20, %dma_wait3A_29] : memref<10240x64xf32, #tpu.memory_space<vmem_shared>> -> memref<640x64xf32, #tpu.memory_space<vmem_shared>>
      tpu.wait_dma2 semaphore(%run_scoped3A : memref<!tpu.dma_semaphore, #tpu.memory_space<semaphore_mem>>) src(%dma_wait3A_30 : memref<640x64xf32, #tpu.memory_space<vmem_shared>>) dst(%dma_wait3A_28 : memref<640x64xf32, #tpu.memory_space<hbm>>)
      tpu.yield
    }) : () -> ()
    return
  }
}

module attributes {stable_mosaic.version = 14 : i64} {
  func.func @body(%arg0: i32, %arg1: memref<1024x128xf32, #tpu.memory_space<vmem>>, %arg2: memref<1024x128xf32, #tpu.memory_space<vmem>>, %arg3: memref<1024x128xf32, #tpu.memory_space<vmem>>, %arg4: memref<128x64xf32, #tpu.memory_space<vmem>>, %arg5: memref<1x64xf32, #tpu.memory_space<vmem>>, %arg6: memref<64x64xf32, #tpu.memory_space<vmem>>, %arg7: memref<1x64xf32, #tpu.memory_space<vmem>>, %arg8: memref<1024x64xf32, #tpu.memory_space<vmem>>) attributes {dimension_semantics = [#tpu.dimension_semantics<arbitrary>], iteration_bounds = array<i64: 10>, scalar_prefetch = 0 : i64, scratch_operands = 0 : i64, tpu.core_type = #tpu.core_type<tc>, window_params = [{transform_indices = @transform_0, window_bounds = array<i64: 1024, 128>}, {transform_indices = @transform_1, window_bounds = array<i64: 1024, 128>}, {transform_indices = @transform_2, window_bounds = array<i64: 1024, 128>}, {pipeline_mode = #tpu.pipeline_mode<synchronous>, transform_indices = @transform_3, window_bounds = array<i64: 128, 64>}, {pipeline_mode = #tpu.pipeline_mode<synchronous>, transform_indices = @transform_4, window_bounds = array<i64: 1, 64>}, {pipeline_mode = #tpu.pipeline_mode<synchronous>, transform_indices = @transform_5, window_bounds = array<i64: 64, 64>}, {pipeline_mode = #tpu.pipeline_mode<synchronous>, transform_indices = @transform_6, window_bounds = array<i64: 1, 64>}, {transform_indices = @transform_7, window_bounds = array<i64: 1024, 64>}]} {
    %get3A = arith.constant 0 : index
    %get3A_0 = arith.constant 0 : index
    %get3A_1 = vector.load %arg1[%get3A, %get3A_0] : memref<1024x128xf32, #tpu.memory_space<vmem>>, vector<1024x128xf32>
    %get3A_2 = arith.constant 0 : index
    %get3A_3 = arith.constant 0 : index
    %get3A_4 = vector.load %arg2[%get3A_2, %get3A_3] : memref<1024x128xf32, #tpu.memory_space<vmem>>, vector<1024x128xf32>
    %get3A_5 = arith.constant 0 : index
    %get3A_6 = arith.constant 0 : index
    %get3A_7 = vector.load %arg3[%get3A_5, %get3A_6] : memref<1024x128xf32, #tpu.memory_space<vmem>>, vector<1024x128xf32>
    %add3A = arith.addf %get3A_4, %get3A_7 : vector<1024x128xf32>
    %add3A_8 = arith.addf %get3A_1, %add3A : vector<1024x128xf32>
    %get3A_9 = arith.constant 0 : index
    %get3A_10 = arith.constant 0 : index
    %get3A_11 = vector.load %arg4[%get3A_9, %get3A_10] : memref<128x64xf32, #tpu.memory_space<vmem>>, vector<128x64xf32>
    %dot_general3A = arith.constant dense<0.000000e+00> : vector<1024x64xf32>
    %dot_general3A_12 = tpu.matmul %add3A_8, %get3A_11, %dot_general3A {dimension_numbers = #tpu.dot_dimension_numbers<[1], [0], [0], [1], [0, 0, 1, 1], [], []>, transpose_lhs_hint = false} : vector<1024x128xf32>, vector<128x64xf32>, vector<1024x64xf32> -> vector<1024x64xf32>
    %get3A_13 = arith.constant 0 : index
    %get3A_14 = arith.constant 0 : index
    %get3A_15 = vector.load %arg5[%get3A_13, %get3A_14] : memref<1x64xf32, #tpu.memory_space<vmem>>, vector<1x64xf32>
    %add3A_16 = vector.broadcast %get3A_15 : vector<1x64xf32> to vector<1024x64xf32>
    %add3A_17 = arith.addf %dot_general3A_12, %add3A_16 : vector<1024x64xf32>
    %max3A = arith.constant 0.000000e+00 : f32
    %max3A_18 = vector.broadcast %max3A : f32 to vector<1024x64xf32>
    %max3A_19 = arith.maximumf %add3A_17, %max3A_18 : vector<1024x64xf32>
    %get3A_20 = arith.constant 0 : index
    %get3A_21 = arith.constant 0 : index
    %get3A_22 = vector.load %arg6[%get3A_20, %get3A_21] : memref<64x64xf32, #tpu.memory_space<vmem>>, vector<64x64xf32>
    %dot_general3A_23 = arith.constant dense<0.000000e+00> : vector<1024x64xf32>
    %dot_general3A_24 = tpu.matmul %max3A_19, %get3A_22, %dot_general3A_23 {dimension_numbers = #tpu.dot_dimension_numbers<[1], [0], [0], [1], [0, 0, 1, 1], [], []>, transpose_lhs_hint = false} : vector<1024x64xf32>, vector<64x64xf32>, vector<1024x64xf32> -> vector<1024x64xf32>
    %get3A_25 = arith.constant 0 : index
    %get3A_26 = arith.constant 0 : index
    %get3A_27 = vector.load %arg7[%get3A_25, %get3A_26] : memref<1x64xf32, #tpu.memory_space<vmem>>, vector<1x64xf32>
    %add3A_28 = vector.broadcast %get3A_27 : vector<1x64xf32> to vector<1024x64xf32>
    %add3A_29 = arith.addf %dot_general3A_24, %add3A_28 : vector<1024x64xf32>
    %max3A_30 = arith.constant 0.000000e+00 : f32
    %max3A_31 = vector.broadcast %max3A_30 : f32 to vector<1024x64xf32>
    %max3A_32 = arith.maximumf %add3A_29, %max3A_31 : vector<1024x64xf32>
    %swap3A = arith.constant 0 : index
    %swap3A_33 = arith.constant 0 : index
    %swap3A_34 = vector.load %arg8[%swap3A, %swap3A_33] : memref<1024x64xf32, #tpu.memory_space<vmem>>, vector<1024x64xf32>
    tpu.vector_store %arg8[%swap3A, %swap3A_33], %max3A_32 {strides = array<i32>} : memref<1024x64xf32, #tpu.memory_space<vmem>>, vector<1024x64xf32>,
    return
  }
  func.func @transform_0(%arg0: i32) -> (i32, i32) {
    %c0_i32 = arith.constant 0 : i32
    %c0_i32_0 = arith.constant 0 : i32
    return %arg0, %c0_i32 : i32, i32
  }
  func.func @transform_1(%arg0: i32) -> (i32, i32) {
    %c0_i32 = arith.constant 0 : i32
    %c0_i32_0 = arith.constant 0 : i32
    return %arg0, %c0_i32 : i32, i32
  }
  func.func @transform_2(%arg0: i32) -> (i32, i32) {
    %c0_i32 = arith.constant 0 : i32
    %c0_i32_0 = arith.constant 0 : i32
    return %arg0, %c0_i32 : i32, i32
  }
  func.func @transform_3(%arg0: i32) -> (i32, i32) {
    %c0_i32 = arith.constant 0 : i32
    %c0_i32_0 = arith.constant 0 : i32
    %c0_i32_1 = arith.constant 0 : i32
    return %c0_i32, %c0_i32_0 : i32, i32
  }
  func.func @transform_4(%arg0: i32) -> (i32, i32) {
    %c0_i32 = arith.constant 0 : i32
    %c0_i32_0 = arith.constant 0 : i32
    %c0_i32_1 = arith.constant 0 : i32
    return %c0_i32, %c0_i32_0 : i32, i32
  }
  func.func @transform_5(%arg0: i32) -> (i32, i32) {
    %c0_i32 = arith.constant 0 : i32
    %c0_i32_0 = arith.constant 0 : i32
    %c0_i32_1 = arith.constant 0 : i32
    return %c0_i32, %c0_i32_0 : i32, i32
  }
  func.func @transform_6(%arg0: i32) -> (i32, i32) {
    %c0_i32 = arith.constant 0 : i32
    %c0_i32_0 = arith.constant 0 : i32
    %c0_i32_1 = arith.constant 0 : i32
    return %c0_i32, %c0_i32_0 : i32, i32
  }
  func.func @transform_7(%arg0: i32) -> (i32, i32) {
    %c0_i32 = arith.constant 0 : i32
    %c0_i32_0 = arith.constant 0 : i32
    return %arg0, %c0_i32 : i32, i32
  }
}

module attributes {stable_mosaic.version = 14 : i64} {
  func.func @body(%arg0: i32, %arg1: memref<1024x64xf32, #tpu.memory_space<vmem>>, %arg2: memref<1024x64xf32, #tpu.memory_space<vmem>>, %arg3: memref<1024x64xf32, #tpu.memory_space<vmem>>, %arg4: memref<64x64xf32, #tpu.memory_space<vmem>>, %arg5: memref<1x64xf32, #tpu.memory_space<vmem>>, %arg6: memref<64x64xf32, #tpu.memory_space<vmem>>, %arg7: memref<1x64xf32, #tpu.memory_space<vmem>>, %arg8: memref<1024x64xf32, #tpu.memory_space<vmem>>) attributes {dimension_semantics = [#tpu.dimension_semantics<arbitrary>], iteration_bounds = array<i64: 10>, scalar_prefetch = 0 : i64, scratch_operands = 0 : i64, tpu.core_type = #tpu.core_type<tc>, window_params = [{transform_indices = @transform_0, window_bounds = array<i64: 1024, 64>}, {transform_indices = @transform_1, window_bounds = array<i64: 1024, 64>}, {transform_indices = @transform_2, window_bounds = array<i64: 1024, 64>}, {pipeline_mode = #tpu.pipeline_mode<synchronous>, transform_indices = @transform_3, window_bounds = array<i64: 64, 64>}, {pipeline_mode = #tpu.pipeline_mode<synchronous>, transform_indices = @transform_4, window_bounds = array<i64: 1, 64>}, {pipeline_mode = #tpu.pipeline_mode<synchronous>, transform_indices = @transform_5, window_bounds = array<i64: 64, 64>}, {pipeline_mode = #tpu.pipeline_mode<synchronous>, transform_indices = @transform_6, window_bounds = array<i64: 1, 64>}, {transform_indices = @transform_7, window_bounds = array<i64: 1024, 64>}]} {
    %get3A = arith.constant 0 : index
    %get3A_0 = arith.constant 0 : index
    %get3A_1 = vector.load %arg1[%get3A, %get3A_0] : memref<1024x64xf32, #tpu.memory_space<vmem>>, vector<1024x64xf32>
    %get3A_2 = arith.constant 0 : index
    %get3A_3 = arith.constant 0 : index
    %get3A_4 = vector.load %arg2[%get3A_2, %get3A_3] : memref<1024x64xf32, #tpu.memory_space<vmem>>, vector<1024x64xf32>
    %get3A_5 = arith.constant 0 : index
    %get3A_6 = arith.constant 0 : index
    %get3A_7 = vector.load %arg3[%get3A_5, %get3A_6] : memref<1024x64xf32, #tpu.memory_space<vmem>>, vector<1024x64xf32>
    %add3A = arith.addf %get3A_4, %get3A_7 : vector<1024x64xf32>
    %add3A_8 = arith.addf %get3A_1, %add3A : vector<1024x64xf32>
    %get3A_9 = arith.constant 0 : index
    %get3A_10 = arith.constant 0 : index
    %get3A_11 = vector.load %arg4[%get3A_9, %get3A_10] : memref<64x64xf32, #tpu.memory_space<vmem>>, vector<64x64xf32>
    %dot_general3A = arith.constant dense<0.000000e+00> : vector<1024x64xf32>
    %dot_general3A_12 = tpu.matmul %add3A_8, %get3A_11, %dot_general3A {dimension_numbers = #tpu.dot_dimension_numbers<[1], [0], [0], [1], [0, 0, 1, 1], [], []>, transpose_lhs_hint = false} : vector<1024x64xf32>, vector<64x64xf32>, vector<1024x64xf32> -> vector<1024x64xf32>
    %get3A_13 = arith.constant 0 : index
    %get3A_14 = arith.constant 0 : index
    %get3A_15 = vector.load %arg5[%get3A_13, %get3A_14] : memref<1x64xf32, #tpu.memory_space<vmem>>, vector<1x64xf32>
    %add3A_16 = vector.broadcast %get3A_15 : vector<1x64xf32> to vector<1024x64xf32>
    %add3A_17 = arith.addf %dot_general3A_12, %add3A_16 : vector<1024x64xf32>
    %max3A = arith.constant 0.000000e+00 : f32
    %max3A_18 = vector.broadcast %max3A : f32 to vector<1024x64xf32>
    %max3A_19 = arith.maximumf %add3A_17, %max3A_18 : vector<1024x64xf32>
    %get3A_20 = arith.constant 0 : index
    %get3A_21 = arith.constant 0 : index
    %get3A_22 = vector.load %arg6[%get3A_20, %get3A_21] : memref<64x64xf32, #tpu.memory_space<vmem>>, vector<64x64xf32>
    %dot_general3A_23 = arith.constant dense<0.000000e+00> : vector<1024x64xf32>
    %dot_general3A_24 = tpu.matmul %max3A_19, %get3A_22, %dot_general3A_23 {dimension_numbers = #tpu.dot_dimension_numbers<[1], [0], [0], [1], [0, 0, 1, 1], [], []>, transpose_lhs_hint = false} : vector<1024x64xf32>, vector<64x64xf32>, vector<1024x64xf32> -> vector<1024x64xf32>
    %get3A_25 = arith.constant 0 : index
    %get3A_26 = arith.constant 0 : index
    %get3A_27 = vector.load %arg7[%get3A_25, %get3A_26] : memref<1x64xf32, #tpu.memory_space<vmem>>, vector<1x64xf32>
    %add3A_28 = vector.broadcast %get3A_27 : vector<1x64xf32> to vector<1024x64xf32>
    %add3A_29 = arith.addf %dot_general3A_24, %add3A_28 : vector<1024x64xf32>
    %max3A_30 = arith.constant 0.000000e+00 : f32
    %max3A_31 = vector.broadcast %max3A_30 : f32 to vector<1024x64xf32>
    %max3A_32 = arith.maximumf %add3A_29, %max3A_31 : vector<1024x64xf32>
    %swap3A = arith.constant 0 : index
    %swap3A_33 = arith.constant 0 : index
    %swap3A_34 = vector.load %arg8[%swap3A, %swap3A_33] : memref<1024x64xf32, #tpu.memory_space<vmem>>, vector<1024x64xf32>
    tpu.vector_store %arg8[%swap3A, %swap3A_33], %max3A_32 {strides = array<i32>} : memref<1024x64xf32, #tpu.memory_space<vmem>>, vector<1024x64xf32>,
    return
  }
  func.func @transform_0(%arg0: i32) -> (i32, i32) {
    %c0_i32 = arith.constant 0 : i32
    %c0_i32_0 = arith.constant 0 : i32
    return %arg0, %c0_i32 : i32, i32
  }
  func.func @transform_1(%arg0: i32) -> (i32, i32) {
    %c0_i32 = arith.constant 0 : i32
    %c0_i32_0 = arith.constant 0 : i32
    return %arg0, %c0_i32 : i32, i32
  }
  func.func @transform_2(%arg0: i32) -> (i32, i32) {
    %c0_i32 = arith.constant 0 : i32
    %c0_i32_0 = arith.constant 0 : i32
    return %arg0, %c0_i32 : i32, i32
  }
  func.func @transform_3(%arg0: i32) -> (i32, i32) {
    %c0_i32 = arith.constant 0 : i32
    %c0_i32_0 = arith.constant 0 : i32
    %c0_i32_1 = arith.constant 0 : i32
    return %c0_i32, %c0_i32_0 : i32, i32
  }
  func.func @transform_4(%arg0: i32) -> (i32, i32) {
    %c0_i32 = arith.constant 0 : i32
    %c0_i32_0 = arith.constant 0 : i32
    %c0_i32_1 = arith.constant 0 : i32
    return %c0_i32, %c0_i32_0 : i32, i32
  }
  func.func @transform_5(%arg0: i32) -> (i32, i32) {
    %c0_i32 = arith.constant 0 : i32
    %c0_i32_0 = arith.constant 0 : i32
    %c0_i32_1 = arith.constant 0 : i32
    return %c0_i32, %c0_i32_0 : i32, i32
  }
  func.func @transform_6(%arg0: i32) -> (i32, i32) {
    %c0_i32 = arith.constant 0 : i32
    %c0_i32_0 = arith.constant 0 : i32
    %c0_i32_1 = arith.constant 0 : i32
    return %c0_i32, %c0_i32_0 : i32, i32
  }
  func.func @transform_7(%arg0: i32) -> (i32, i32) {
    %c0_i32 = arith.constant 0 : i32
    %c0_i32_0 = arith.constant 0 : i32
    return %arg0, %c0_i32 : i32, i32
  }
}

module attributes {stable_mosaic.version = 14 : i64} {
  func.func @body(%arg0: memref<10240x64xf32, #tpu.memory_space<vmem>>, %arg1: memref<10240x64xf32, #tpu.memory_space<vmem>>, %arg2: memref<10240x64xf32, #tpu.memory_space<vmem>>, %arg3: memref<64x64xf32, #tpu.memory_space<vmem>>, %arg4: memref<1x64xf32, #tpu.memory_space<vmem>>, %arg5: memref<64x64xf32, #tpu.memory_space<vmem>>, %arg6: memref<1x64xf32, #tpu.memory_space<vmem>>, %arg7: memref<10240x1xi32, #tpu.memory_space<vmem>>, %arg8: memref<64x1xf32, #tpu.memory_space<vmem>>, %arg9: memref<1x1xf32, #tpu.memory_space<vmem>>, %arg10: memref<64x1xf32, #tpu.memory_space<vmem>>, %arg11: memref<1x1xf32, #tpu.memory_space<vmem>>, %arg12: memref<64x64xf32, #tpu.memory_space<vmem>>, %arg13: memref<1x64xf32, #tpu.memory_space<vmem>>, %arg14: memref<64x3xf32, #tpu.memory_space<vmem>>, %arg15: memref<1x3xf32, #tpu.memory_space<vmem>>, %arg16: memref<64x3xf32, #tpu.memory_space<vmem>>, %arg17: memref<64x64xf32, #tpu.memory_space<vmem>>, %arg18: memref<10240x64xf32, #tpu.memory_space<vmem>>, %arg19: memref<10240x1xf32, #tpu.memory_space<vmem>>) attributes {dimension_semantics = [], scalar_prefetch = 0 : i64, scratch_operands = 0 : i64, tpu.core_type = #tpu.core_type<tc>} {
    %get3A = arith.constant 0 : index
    %get3A_0 = arith.constant 0 : index
    %get3A_1 = vector.load %arg0[%get3A, %get3A_0] : memref<10240x64xf32, #tpu.memory_space<vmem>>, vector<10240x64xf32>
    %get3A_2 = arith.constant 0 : index
    %get3A_3 = arith.constant 0 : index
    %get3A_4 = vector.load %arg1[%get3A_2, %get3A_3] : memref<10240x64xf32, #tpu.memory_space<vmem>>, vector<10240x64xf32>
    %get3A_5 = arith.constant 0 : index
    %get3A_6 = arith.constant 0 : index
    %get3A_7 = vector.load %arg2[%get3A_5, %get3A_6] : memref<10240x64xf32, #tpu.memory_space<vmem>>, vector<10240x64xf32>
    %add3A = arith.addf %get3A_4, %get3A_7 : vector<10240x64xf32>
    %add3A_8 = arith.addf %get3A_1, %add3A : vector<10240x64xf32>
    %get3A_9 = arith.constant 0 : index
    %get3A_10 = arith.constant 0 : index
    %get3A_11 = vector.load %arg3[%get3A_9, %get3A_10] : memref<64x64xf32, #tpu.memory_space<vmem>>, vector<64x64xf32>
    %dot_general3A = arith.constant dense<0.000000e+00> : vector<10240x64xf32>
    %dot_general3A_12 = tpu.matmul %add3A_8, %get3A_11, %dot_general3A {dimension_numbers = #tpu.dot_dimension_numbers<[1], [0], [0], [1], [0, 0, 1, 1], [], []>, transpose_lhs_hint = false} : vector<10240x64xf32>, vector<64x64xf32>, vector<10240x64xf32> -> vector<10240x64xf32>
    %get3A_13 = arith.constant 0 : index
    %get3A_14 = arith.constant 0 : index
    %get3A_15 = vector.load %arg4[%get3A_13, %get3A_14] : memref<1x64xf32, #tpu.memory_space<vmem>>, vector<1x64xf32>
    %add3A_16 = vector.broadcast %get3A_15 : vector<1x64xf32> to vector<10240x64xf32>
    %add3A_17 = arith.addf %dot_general3A_12, %add3A_16 : vector<10240x64xf32>
    %max3A = arith.constant 0.000000e+00 : f32
    %max3A_18 = vector.broadcast %max3A : f32 to vector<10240x64xf32>
    %max3A_19 = arith.maximumf %add3A_17, %max3A_18 : vector<10240x64xf32>
    %get3A_20 = arith.constant 0 : index
    %get3A_21 = arith.constant 0 : index
    %get3A_22 = vector.load %arg5[%get3A_20, %get3A_21] : memref<64x64xf32, #tpu.memory_space<vmem>>, vector<64x64xf32>
    %dot_general3A_23 = arith.constant dense<0.000000e+00> : vector<10240x64xf32>
    %dot_general3A_24 = tpu.matmul %max3A_19, %get3A_22, %dot_general3A_23 {dimension_numbers = #tpu.dot_dimension_numbers<[1], [0], [0], [1], [0, 0, 1, 1], [], []>, transpose_lhs_hint = false} : vector<10240x64xf32>, vector<64x64xf32>, vector<10240x64xf32> -> vector<10240x64xf32>
    %get3A_25 = arith.constant 0 : index
    %get3A_26 = arith.constant 0 : index
    %get3A_27 = vector.load %arg6[%get3A_25, %get3A_26] : memref<1x64xf32, #tpu.memory_space<vmem>>, vector<1x64xf32>
    %add3A_28 = vector.broadcast %get3A_27 : vector<1x64xf32> to vector<10240x64xf32>
    %add3A_29 = arith.addf %dot_general3A_24, %add3A_28 : vector<10240x64xf32>
    %max3A_30 = arith.constant 0.000000e+00 : f32
    %max3A_31 = vector.broadcast %max3A_30 : f32 to vector<10240x64xf32>
    %max3A_32 = arith.maximumf %add3A_29, %max3A_31 : vector<10240x64xf32>
    %swap3A = arith.constant 0 : index
    %swap3A_33 = arith.constant 0 : index
    %swap3A_34 = vector.load %arg18[%swap3A, %swap3A_33] : memref<10240x64xf32, #tpu.memory_space<vmem>>, vector<10240x64xf32>
    tpu.vector_store %arg18[%swap3A, %swap3A_33], %max3A_32 {strides = array<i32>} : memref<10240x64xf32, #tpu.memory_space<vmem>>, vector<10240x64xf32>,
    %iota3A = tpu.iota {dimensions = array<i32: 0>} : vector<10240x1xi32>
    %lt3A = arith.constant 10000 : i32
    %lt3A_35 = vector.broadcast %lt3A : i32 to vector<10240x1xi32>
    %lt3A_36 = arith.cmpi slt, %iota3A, %lt3A_35 : vector<10240x1xi32>
    %iota3A_37 = tpu.iota {dimensions = array<i32: 1>} : vector<1x64xi32>
    %get3A_38 = arith.constant 0 : index
    %get3A_39 = arith.constant 0 : index
    %get3A_40 = vector.load %arg7[%get3A_38, %get3A_39] : memref<10240x1xi32, #tpu.memory_space<vmem>>, vector<10240x1xi32>
    %eq3A = vector.broadcast %get3A_40 : vector<10240x1xi32> to vector<10240x64xi32>
    %eq3A_41 = vector.broadcast %iota3A_37 : vector<1x64xi32> to vector<10240x64xi32>
    %eq3A_42 = arith.cmpi eq, %eq3A, %eq3A_41 : vector<10240x64xi32>
    %and3A = vector.broadcast %lt3A_36 : vector<10240x1xi1> to vector<10240x64xi1>
    %and3A_43 = arith.andi %eq3A_42, %and3A : vector<10240x64xi1>
    %convert_element_type3A = arith.extui %and3A_43 : vector<10240x64xi1> to vector<10240x64xi32>
    %convert_element_type3A_44 = arith.sitofp %convert_element_type3A : vector<10240x64xi32> to vector<10240x64xf32>
    %get3A_45 = arith.constant 0 : index
    %get3A_46 = arith.constant 0 : index
    %get3A_47 = vector.load %arg8[%get3A_45, %get3A_46] : memref<64x1xf32, #tpu.memory_space<vmem>>, vector<64x1xf32>
    %dot_general3A_48 = arith.constant dense<0.000000e+00> : vector<10240x1xf32>
    %dot_general3A_49 = tpu.matmul %max3A_32, %get3A_47, %dot_general3A_48 {dimension_numbers = #tpu.dot_dimension_numbers<[1], [0], [0], [1], [0, 0, 1, 1], [], []>, transpose_lhs_hint = false} : vector<10240x64xf32>, vector<64x1xf32>, vector<10240x1xf32> -> vector<10240x1xf32>
    %get3A_50 = arith.constant 0 : index
    %get3A_51 = arith.constant 0 : index
    %get3A_52 = vector.load %arg9[%get3A_50, %get3A_51] : memref<1x1xf32, #tpu.memory_space<vmem>>, vector<1x1xf32>
    %add3A_53 = vector.broadcast %get3A_52 : vector<1x1xf32> to vector<10240x1xf32>
    %add3A_54 = arith.addf %dot_general3A_49, %add3A_53 : vector<10240x1xf32>
    %get3A_55 = arith.constant 0 : index
    %get3A_56 = arith.constant 0 : index
    %get3A_57 = vector.load %arg10[%get3A_55, %get3A_56] : memref<64x1xf32, #tpu.memory_space<vmem>>, vector<64x1xf32>
    %dot_general3A_58 = arith.constant dense<0.000000e+00> : vector<10240x1xf32>
    %dot_general3A_59 = tpu.matmul %max3A_32, %get3A_57, %dot_general3A_58 {dimension_numbers = #tpu.dot_dimension_numbers<[1], [0], [0], [1], [0, 0, 1, 1], [], []>, transpose_lhs_hint = false} : vector<10240x64xf32>, vector<64x1xf32>, vector<10240x1xf32> -> vector<10240x1xf32>
    %get3A_60 = arith.constant 0 : index
    %get3A_61 = arith.constant 0 : index
    %get3A_62 = vector.load %arg11[%get3A_60, %get3A_61] : memref<1x1xf32, #tpu.memory_space<vmem>>, vector<1x1xf32>
    %add3A_63 = vector.broadcast %get3A_62 : vector<1x1xf32> to vector<10240x1xf32>
    %add3A_64 = arith.addf %dot_general3A_59, %add3A_63 : vector<10240x1xf32>
    %jit3A = arith.constant 0.000000e+00 : f32
    %broadcast_in_dim3A = vector.broadcast %jit3A : f32 to vector<10240x1xf32>
    %select_n3A = arith.select %lt3A_36, %add3A_54, %broadcast_in_dim3A : vector<10240x1xi1>, vector<10240x1xf32>
    %jit3A_65 = arith.constant 0xFF800000 : f32
    %broadcast_in_dim3A_66 = vector.shape_cast %select_n3A : vector<10240x1xf32> to vector<10240x1xf32>
    %broadcast_in_dim3A_67 = vector.broadcast %broadcast_in_dim3A_66 : vector<10240x1xf32> to vector<10240x64xf32>
    %broadcast_in_dim3A_68 = vector.broadcast %jit3A_65 : f32 to vector<10240x64xf32>
    %select_n3A_69 = arith.select %and3A_43, %broadcast_in_dim3A_67, %broadcast_in_dim3A_68 : vector<10240x64xi1>, vector<10240x64xf32>
    %reduce_max3A = arith.constant dense<0xFF800000> : vector<64xf32>
    %reduce_max3A_70 = vector.multi_reduction <maximumf>, %select_n3A_69, %reduce_max3A [0] : vector<10240x64xf32> to vector<64xf32>
    %broadcast_in_dim3A_71 = vector.shape_cast %reduce_max3A_70 : vector<64xf32> to vector<1x64xf32>
    %is_finite3A = tpu.weird %broadcast_in_dim3A_71 : vector<1x64xf32> -> vector<1x64xi1>
    %is_finite3A_72 = arith.constant dense<true> : vector<1x64xi1>
    %is_finite3A_73 = arith.xori %is_finite3A, %is_finite3A_72 : vector<1x64xi1>
    %jit3A_74 = arith.constant 0.000000e+00 : f32
    %broadcast_in_dim3A_75 = vector.broadcast %jit3A_74 : f32 to vector<1x64xf32>
    %select_n3A_76 = arith.select %is_finite3A_73, %broadcast_in_dim3A_71, %broadcast_in_dim3A_75 : vector<1x64xi1>, vector<1x64xf32>
    %mul3A = vector.broadcast %select_n3A_76 : vector<1x64xf32> to vector<10240x64xf32>
    %mul3A_77 = arith.mulf %convert_element_type3A_44, %mul3A : vector<10240x64xf32>
    %reduce_sum3A = arith.constant dense<0.000000e+00> : vector<10240xf32>
    %reduce_sum3A_78 = vector.multi_reduction <add>, %mul3A_77, %reduce_sum3A [1] : vector<10240x64xf32> to vector<10240xf32>
    %broadcast_in_dim3A_79 = vector.shape_cast %reduce_sum3A_78 : vector<10240xf32> to vector<10240x1xf32>
    %sub3A = arith.subf %select_n3A, %broadcast_in_dim3A_79 : vector<10240x1xf32>
    %exp3A = math.exp %sub3A : vector<10240x1xf32>
    %jit3A_80 = arith.constant 0.000000e+00 : f32
    %broadcast_in_dim3A_81 = vector.broadcast %jit3A_80 : f32 to vector<10240x1xf32>
    %select_n3A_82 = arith.select %lt3A_36, %exp3A, %broadcast_in_dim3A_81 : vector<10240x1xi1>, vector<10240x1xf32>
    %mul3A_83 = vector.broadcast %select_n3A_82 : vector<10240x1xf32> to vector<10240x64xf32>
    %mul3A_84 = arith.mulf %convert_element_type3A_44, %mul3A_83 : vector<10240x64xf32>
    %reduce_sum3A_85 = arith.constant dense<0.000000e+00> : vector<64xf32>
    %reduce_sum3A_86 = vector.multi_reduction <add>, %mul3A_84, %reduce_sum3A_85 [0] : vector<10240x64xf32> to vector<64xf32>
    %broadcast_in_dim3A_87 = vector.shape_cast %reduce_sum3A_86 : vector<64xf32> to vector<1x64xf32>
    %mul3A_88 = vector.broadcast %broadcast_in_dim3A_87 : vector<1x64xf32> to vector<10240x64xf32>
    %mul3A_89 = arith.mulf %convert_element_type3A_44, %mul3A_88 : vector<10240x64xf32>
    %reduce_sum3A_90 = arith.constant dense<0.000000e+00> : vector<10240xf32>
    %reduce_sum3A_91 = vector.multi_reduction <add>, %mul3A_89, %reduce_sum3A_90 [1] : vector<10240x64xf32> to vector<10240xf32>
    %broadcast_in_dim3A_92 = vector.shape_cast %reduce_sum3A_91 : vector<10240xf32> to vector<10240x1xf32>
    %add3A_93 = arith.constant 1.000000e-16 : f32
    %add3A_94 = vector.broadcast %add3A_93 : f32 to vector<10240x1xf32>
    %add3A_95 = arith.addf %broadcast_in_dim3A_92, %add3A_94 : vector<10240x1xf32>
    %div3A = arith.divf %select_n3A_82, %add3A_95 : vector<10240x1xf32>
    %swap3A_96 = arith.constant 0 : index
    %swap3A_97 = arith.constant 0 : index
    %swap3A_98 = vector.load %arg19[%swap3A_96, %swap3A_97] : memref<10240x1xf32, #tpu.memory_space<vmem>>, vector<10240x1xf32>
    tpu.vector_store %arg19[%swap3A_96, %swap3A_97], %div3A {strides = array<i32>} : memref<10240x1xf32, #tpu.memory_space<vmem>>, vector<10240x1xf32>,
    %jit3A_99 = arith.constant 0.000000e+00 : f32
    %broadcast_in_dim3A_100 = vector.broadcast %jit3A_99 : f32 to vector<10240x1xf32>
    %select_n3A_101 = arith.select %lt3A_36, %add3A_64, %broadcast_in_dim3A_100 : vector<10240x1xi1>, vector<10240x1xf32>
    %jit3A_102 = arith.constant 0xFF800000 : f32
    %broadcast_in_dim3A_103 = vector.shape_cast %select_n3A_101 : vector<10240x1xf32> to vector<10240x1xf32>
    %broadcast_in_dim3A_104 = vector.broadcast %broadcast_in_dim3A_103 : vector<10240x1xf32> to vector<10240x64xf32>
    %broadcast_in_dim3A_105 = vector.broadcast %jit3A_102 : f32 to vector<10240x64xf32>
    %select_n3A_106 = arith.select %and3A_43, %broadcast_in_dim3A_104, %broadcast_in_dim3A_105 : vector<10240x64xi1>, vector<10240x64xf32>
    %reduce_max3A_107 = arith.constant dense<0xFF800000> : vector<64xf32>
    %reduce_max3A_108 = vector.multi_reduction <maximumf>, %select_n3A_106, %reduce_max3A_107 [0] : vector<10240x64xf32> to vector<64xf32>
    %broadcast_in_dim3A_109 = vector.shape_cast %reduce_max3A_108 : vector<64xf32> to vector<1x64xf32>
    %is_finite3A_110 = tpu.weird %broadcast_in_dim3A_109 : vector<1x64xf32> -> vector<1x64xi1>
    %is_finite3A_111 = arith.constant dense<true> : vector<1x64xi1>
    %is_finite3A_112 = arith.xori %is_finite3A_110, %is_finite3A_111 : vector<1x64xi1>
    %jit3A_113 = arith.constant 0.000000e+00 : f32
    %broadcast_in_dim3A_114 = vector.broadcast %jit3A_113 : f32 to vector<1x64xf32>
    %select_n3A_115 = arith.select %is_finite3A_112, %broadcast_in_dim3A_109, %broadcast_in_dim3A_114 : vector<1x64xi1>, vector<1x64xf32>
    %mul3A_116 = vector.broadcast %select_n3A_115 : vector<1x64xf32> to vector<10240x64xf32>
    %mul3A_117 = arith.mulf %convert_element_type3A_44, %mul3A_116 : vector<10240x64xf32>
    %reduce_sum3A_118 = arith.constant dense<0.000000e+00> : vector<10240xf32>
    %reduce_sum3A_119 = vector.multi_reduction <add>, %mul3A_117, %reduce_sum3A_118 [1] : vector<10240x64xf32> to vector<10240xf32>
    %broadcast_in_dim3A_120 = vector.shape_cast %reduce_sum3A_119 : vector<10240xf32> to vector<10240x1xf32>
    %sub3A_121 = arith.subf %select_n3A_101, %broadcast_in_dim3A_120 : vector<10240x1xf32>
    %exp3A_122 = math.exp %sub3A_121 : vector<10240x1xf32>
    %jit3A_123 = arith.constant 0.000000e+00 : f32
    %broadcast_in_dim3A_124 = vector.broadcast %jit3A_123 : f32 to vector<10240x1xf32>
    %select_n3A_125 = arith.select %lt3A_36, %exp3A_122, %broadcast_in_dim3A_124 : vector<10240x1xi1>, vector<10240x1xf32>
    %mul3A_126 = vector.broadcast %select_n3A_125 : vector<10240x1xf32> to vector<10240x64xf32>
    %mul3A_127 = arith.mulf %convert_element_type3A_44, %mul3A_126 : vector<10240x64xf32>
    %reduce_sum3A_128 = arith.constant dense<0.000000e+00> : vector<64xf32>
    %reduce_sum3A_129 = vector.multi_reduction <add>, %mul3A_127, %reduce_sum3A_128 [0] : vector<10240x64xf32> to vector<64xf32>
    %broadcast_in_dim3A_130 = vector.shape_cast %reduce_sum3A_129 : vector<64xf32> to vector<1x64xf32>
    %mul3A_131 = vector.broadcast %broadcast_in_dim3A_130 : vector<1x64xf32> to vector<10240x64xf32>
    %mul3A_132 = arith.mulf %convert_element_type3A_44, %mul3A_131 : vector<10240x64xf32>
    %reduce_sum3A_133 = arith.constant dense<0.000000e+00> : vector<10240xf32>
    %reduce_sum3A_134 = vector.multi_reduction <add>, %mul3A_132, %reduce_sum3A_133 [1] : vector<10240x64xf32> to vector<10240xf32>
    %broadcast_in_dim3A_135 = vector.shape_cast %reduce_sum3A_134 : vector<10240xf32> to vector<10240x1xf32>
    %add3A_136 = arith.constant 1.000000e-16 : f32
    %add3A_137 = vector.broadcast %add3A_136 : f32 to vector<10240x1xf32>
    %add3A_138 = arith.addf %broadcast_in_dim3A_135, %add3A_137 : vector<10240x1xf32>
    %div3A_139 = arith.divf %select_n3A_125, %add3A_138 : vector<10240x1xf32>
    %mul3A_140 = vector.broadcast %div3A_139 : vector<10240x1xf32> to vector<10240x64xf32>
    %mul3A_141 = arith.mulf %mul3A_140, %max3A_32 : vector<10240x64xf32>
    %dot_general3A_142 = arith.constant dense<0.000000e+00> : vector<64x64xf32>
    %dot_general3A_143 = tpu.matmul %convert_element_type3A_44, %mul3A_141, %dot_general3A_142 {dimension_numbers = #tpu.dot_dimension_numbers<[0], [0], [1], [1], [0, 1, 1, 1], [], []>, transpose_lhs_hint = false} : vector<10240x64xf32>, vector<10240x64xf32>, vector<64x64xf32> -> vector<64x64xf32>
    %swap3A_144 = arith.constant 0 : index
    %swap3A_145 = arith.constant 0 : index
    %swap3A_146 = vector.load %arg17[%swap3A_144, %swap3A_145] : memref<64x64xf32, #tpu.memory_space<vmem>>, vector<64x64xf32>
    tpu.vector_store %arg17[%swap3A_144, %swap3A_145], %dot_general3A_143 {strides = array<i32>} : memref<64x64xf32, #tpu.memory_space<vmem>>, vector<64x64xf32>,
    %get3A_147 = arith.constant 0 : index
    %get3A_148 = arith.constant 0 : index
    %get3A_149 = vector.load %arg12[%get3A_147, %get3A_148] : memref<64x64xf32, #tpu.memory_space<vmem>>, vector<64x64xf32>
    %dot_general3A_150 = arith.constant dense<0.000000e+00> : vector<64x64xf32>
    %dot_general3A_151 = tpu.matmul %dot_general3A_143, %get3A_149, %dot_general3A_150 {dimension_numbers = #tpu.dot_dimension_numbers<[1], [0], [0], [1], [0, 0, 1, 1], [], []>, transpose_lhs_hint = false} : vector<64x64xf32>, vector<64x64xf32>, vector<64x64xf32> -> vector<64x64xf32>
    %get3A_152 = arith.constant 0 : index
    %get3A_153 = arith.constant 0 : index
    %get3A_154 = vector.load %arg13[%get3A_152, %get3A_153] : memref<1x64xf32, #tpu.memory_space<vmem>>, vector<1x64xf32>
    %add3A_155 = vector.broadcast %get3A_154 : vector<1x64xf32> to vector<64x64xf32>
    %add3A_156 = arith.addf %dot_general3A_151, %add3A_155 : vector<64x64xf32>
    %max3A_157 = arith.constant 0.000000e+00 : f32
    %max3A_158 = vector.broadcast %max3A_157 : f32 to vector<64x64xf32>
    %max3A_159 = arith.maximumf %add3A_156, %max3A_158 : vector<64x64xf32>
    %get3A_160 = arith.constant 0 : index
    %get3A_161 = arith.constant 0 : index
    %get3A_162 = vector.load %arg14[%get3A_160, %get3A_161] : memref<64x3xf32, #tpu.memory_space<vmem>>, vector<64x3xf32>
    %dot_general3A_163 = arith.constant dense<0.000000e+00> : vector<64x3xf32>
    %dot_general3A_164 = tpu.matmul %max3A_159, %get3A_162, %dot_general3A_163 {dimension_numbers = #tpu.dot_dimension_numbers<[1], [0], [0], [1], [0, 0, 1, 1], [], []>, transpose_lhs_hint = false} : vector<64x64xf32>, vector<64x3xf32>, vector<64x3xf32> -> vector<64x3xf32>
    %get3A_165 = arith.constant 0 : index
    %get3A_166 = arith.constant 0 : index
    %get3A_167 = vector.load %arg15[%get3A_165, %get3A_166] : memref<1x3xf32, #tpu.memory_space<vmem>>, vector<1x3xf32>
    %add3A_168 = vector.broadcast %get3A_167 : vector<1x3xf32> to vector<64x3xf32>
    %add3A_169 = arith.addf %dot_general3A_164, %add3A_168 : vector<64x3xf32>
    %swap3A_170 = arith.constant 0 : index
    %swap3A_171 = arith.constant 0 : index
    %swap3A_172 = vector.load %arg16[%swap3A_170, %swap3A_171] : memref<64x3xf32, #tpu.memory_space<vmem>>, vector<64x3xf32>
    tpu.vector_store %arg16[%swap3A_170, %swap3A_171], %add3A_169 {strides = array<i32>} : memref<64x3xf32, #tpu.memory_space<vmem>>, vector<64x3xf32>,
    return
  }
}

</mosaic_0001>

<sc_bundles>
// kernel: gather_offload_async_start
scs
__scs_entry_jumppad:
0x0: {  	(pc) =	sbr.rel $0x88, $3  }
0x1: {  	(tag) =	ssettag $0x0;
	lr =	simm.s32 $0x1  }
0x2: {  	[smem:$0x3F8A] =	sst lr;
	_ =	strace $0xD0000000  }
0x3: {  	_ = 	snop  }
0x4: {  	_ = 	snop  }
0x5: {  	_ = 	snop  }
0x6: {  	_ = 	snop  }
0x7: {  	_ = 	snop  }
__scs_overlays_trampoline_lowered:
0x8: {  	[smem:$0x3F99] =	sst s0  }
0x9: {  	[smem:$0x3F9A] =	sst s1  }
0xa: {  	[smem:$0x3F9B] =	sst s2  }
0xb: {  	[smem:$0x3F9C] =	sst s3  }
0xc: {  	[smem:$0x3F9D] =	sst s4  }
0xd: {  	[smem:$0x3F9E] =	sst s5  }
0xe: {  	[smem:$0x3F9F] =	sst s6  }
0xf: {  	[smem:$0x3FA0] =	sst s7  }
0x10: {  	[smem:$0x3FA1] =	sst s8  }
0x11: {  	[smem:$0x3FA2] =	sst s9;
	s0 =	simm.s32 @!p0 $0x0  }
0x12: {  	s1 =	sld [smem:$0x3F88];
	s0 =	simm.s32 @p0 $0x1  }
0x13: {  	[smem:$0x3FA3] =	sst s0;
	s0 =	simm.s32 @!p1 $0x0  }
0x14: {  	s2 =	sld [smem:$0x3F87];
	s0 =	simm.s32 @p1 $0x1  }
0x15: {  	[smem:$0x3FA4] =	sst s0;
	s0 =	simm.s32 @!p2 $0x0  }
0x16: {  	s3 =	sld [smem:$0x3FDB];
	s0 =	simm.s32 @p2 $0x1  }
0x17: {  	s4 =	simm.s32 $0x1BF5;
	[smem:$0x3FA6] =	sst s0  }
0x18: {  	s0 =	sld [smem:$0x3F89];
	_ =	swait.ge [sflag:s4], $0x0  }
0x19: {  	s7 =	sld [smem:$0x3F8A]  }
0x1a: {  	s8 =	sadd.s32 $0xFFFFE003, lr  }
0x1b: {  	s9 =	sadd.s32 $0xFFFFFEF7, lr;
	s5 =	simm.s32 $0xFFFFFFFF;
	p2 =	slt.u32 s8, $0xFFFFF086  }
0x1c: {  	p1 =	slt.u32 s9, $0xF7A;
	s5 =	simm.s32 @!p2 $0x0  }
0x1d: {  	s5 =	simm.s32 @p1 $0x1;
	p0 =	seq.s32 s7, s2  }
0x1e: {  	s7 =	smul.u32 @!p0 $0xF7A, s2;
	p2 =	seq.s32 @!p0 s5, $0x0  }
0x1f: {  	s9 =	smul.u32 $0xF7A, s1;
	s8 =	simm.s32 @!p0 $0x1BF5;
	p2 =	por !p2, p0  }
0x20: {  	[sflag:s8] =	ssyncset.s32 @!p0 $0xFFFFF086;
	s6 =	sadd.s32 @!p0 s3, s7;
	s7 =	simm.s32 @!p0 $0x108  }
0x21: {  	s3 =	sadd.s32 s3, s9;
	s6 =	sadd.s32 @!p0 $0x88, s6;
	s7 =	simm.s32 @p2 $0x1082  }
0x22: {  	[simem:s7], [sflag:s8] =	dma.local @!p0 [hbm:s6], $0xF7A  }
0x23: {  	s9 =	sor.u32 $0xD0000000, s2;
	s6 =	simm.s32 $0x108;
	_ =	swait.ge @!p0 [sflag:s8], $0x0  }
0x24: {  	s3 =	sadd.s32 $0x88, s3;
	s6 =	simm.s32 @!p1 $0x1082;
	[sflag:s4] =	ssyncset.s32 $0xFFFFF086  }
0x25: {  	[simem:s6], [sflag:s4] =	dma.local [hbm:s3], $0xF7A  }
0x26: {  	[smem:$0x3F8A] =	sst s1;
	(tag) =	ssettag s2;
	_ =	strace s9  }
0x27: {  	s1 =	sld [smem:$0x3F9A]  }
0x28: {  	s2 =	sld [smem:$0x3F9B]  }
0x29: {  	s4 =	sld [smem:$0x3F9D]  }
0x2a: {  	p0 =	seq.s32 s5, $0x0;
	s5 =	sld [smem:$0x3F9E]  }
0x2b: {  	s6 =	sld [smem:$0x3F9F]  }
0x2c: {  	s7 =	sld [smem:$0x3FA0]  }
0x2d: {  	s3 =	simm.s32 $0x108;
	s8 =	sld [smem:$0x3FA1]  }
0x2e: {  	s3 =	simm.s32 @!p0 $0x1082;
	s9 =	sld [smem:$0x3FA2]  }
0x2f: {  	lr =	sadd.s32 s0, s3;
	s0 =	sld [smem:$0x3F99]  }
0x30: {  	s3 =	sld [smem:$0x3F9C]  }
0x31: {  	[smem:$0x3FA5] =	sst s10  }
0x32: {  	s10 =	sld [smem:$0x3FA3];
	_ =	sdelay $0x3  }
0x33: {  	p0 =	seq.s32 s10, $0x1;
	s10 =	sld [smem:$0x3FA5];
	_ =	sdelay $0x3  }
0x34: {  	[smem:$0x3FA5] =	sst s10  }
0x35: {  	s10 =	sld [smem:$0x3FA4];
	_ =	sdelay $0x3  }
0x36: {  	p1 =	seq.s32 s10, $0x1;
	s10 =	sld [smem:$0x3FA5];
	_ =	sdelay $0x3  }
0x37: {  	[smem:$0x3FA5] =	sst s10  }
0x38: {  	s10 =	sld [smem:$0x3FA6]  }
0x39: {  	_ = 	snop;
	(pc) =	sbr.ind lr, $3  }
0x3a: {  	_ = 	snop  }
0x3b: {  	_ = 	snop  }
0x3c: {  	p2 =	seq.s32 s10, $0x1;
	s10 =	sld [smem:$0x3FA5]  }
0x3d: {  	_ =	shalt  }
0x3e: {  	_ =	shalt  }
0x3f: {  	_ =	shalt  }
0x40: {  	_ =	shalt  }
0x41: {  	_ =	shalt  }
0x42: {  	_ =	shalt  }
0x43: {  	_ =	shalt  }
0x44: {  	_ =	shalt  }
0x45: {  	_ =	shalt  }
0x46: {  	_ =	shalt  }
0x47: {  	_ =	shalt  }
0x48: {  	_ =	shalt  }
0x49: {  	_ =	shalt  }
0x4a: {  	_ =	shalt  }
0x4b: {  	_ =	shalt  }
0x4c: {  	_ =	shalt  }
0x4d: {  	_ =	shalt  }
0x4e: {  	_ =	shalt  }
0x4f: {  	_ =	shalt  }
0x50: {  	_ =	shalt  }
0x51: {  	_ =	shalt  }
0x52: {  	_ =	shalt  }
0x53: {  	_ =	shalt  }
0x54: {  	_ =	shalt  }
0x55: {  	_ =	shalt  }
0x56: {  	_ =	shalt  }
0x57: {  	_ =	shalt  }
0x58: {  	_ =	shalt  }
0x59: {  	_ =	shalt  }
0x5a: {  	_ =	shalt  }
0x5b: {  	_ =	shalt  }
0x5c: {  	_ =	shalt  }
0x5d: {  	_ =	shalt  }
0x5e: {  	_ =	shalt  }
0x5f: {  	_ =	shalt  }
0x60: {  	_ =	shalt  }
0x61: {  	_ =	shalt  }
0x62: {  	_ =	shalt  }
0x63: {  	_ =	shalt  }
0x64: {  	_ =	shalt  }
0x65: {  	_ =	shalt  }
0x66: {  	_ =	shalt  }
0x67: {  	_ =	shalt  }
0x68: {  	_ =	shalt  }
0x69: {  	_ =	shalt  }
0x6a: {  	_ =	shalt  }
0x6b: {  	_ =	shalt  }
0x6c: {  	_ =	shalt  }
0x6d: {  	_ =	shalt  }
0x6e: {  	_ =	shalt  }
0x6f: {  	_ =	shalt  }
0x70: {  	_ =	shalt  }
0x71: {  	_ =	shalt  }
0x72: {  	_ =	shalt  }
0x73: {  	_ =	shalt  }
0x74: {  	_ =	shalt  }
0x75: {  	_ =	shalt  }
0x76: {  	_ =	shalt  }
0x77: {  	_ =	shalt  }
0x78: {  	_ =	shalt  }
0x79: {  	_ =	shalt  }
0x7a: {  	_ =	shalt  }
0x7b: {  	_ =	shalt  }
0x7c: {  	_ =	shalt  }
0x7d: {  	_ =	shalt  }
0x7e: {  	_ =	shalt  }
0x7f: {  	_ =	shalt  }
0x80: {  	_ =	shalt  }
0x81: {  	_ =	shalt  }
0x82: {  	_ =	shalt  }
0x83: {  	_ =	shalt  }
0x84: {  	_ =	shalt  }
0x85: {  	_ =	shalt  }
0x86: {  	_ =	shalt  }
0x87: {  	_ =	shalt  }
.Lfunc_end0:
.L_simem_size_0:
called_computation_lowered:
.L_overlay_start_0:
0x88: {  	s2 =	sld [smem:$0x3FD9]  }
0x89: {  	s3 =	sld [smem:$0x3FFE];
	_ =	sdelay $0x1  }
0x8a: {  	s1 =	srdreg.scid  }
0x8b: {  	s0 =	sand.u32 $0x1, s1  }
0x8c: {  	s14 =	sshll.u32 s0, $0xA;
	s2 =	sadd.s32 s3, s2  }
0x8d: {  	s2 =	sadd.s32 s2, s14  }
0x8e: {  	[smem:$0x3FB1] =	sst s2  }
0x8f: {  	_ = 	snop  }
0x90: {  	s2 =	sld [smem:$0x3FD0];
	_ =	sdelay $0x2  }
0x91: {  	s4 =	simm.s32 $0xA;
	s5 =	simm.s32 $0x10;
	s15 =	sld [smem:$0x3FC8]  }
0x92: {  	[smem:s5], [sflag:s4] =	dma.local [hbm:s2], $0x1  }
0x93: {  	_ =	swait.eq [sflag:s4], $0x1  }
0x94: {  	[sflag:s4] =	ssyncset.done $0x0  }
0x95: {  	[sflag:s4] =	ssyncadd.s32 $0xFFFFFFFF  }
0x96: {  	s16 =	sld [smem:$0x12];
	(tm) =	ssettm $0x1  }
0x97: {  	s17 =	sld [smem:$0x3FFB];
	_ =	sdelay $0x3  }
0x98: {  	_ =	strace s17  }
0x99: {  	s4 =	sld [smem:$0x3FFC];
	_ =	sdelay $0x3  }
0x9a: {  	_ =	strace s4  }
0x9b: {  	s4 =	sld [smem:$0x3FFD];
	_ =	sdelay $0x3  }
0x9c: {  	_ =	strace s4  }
0x9d: {  	_ =	strace $0x8FFFFFFF  }
0x9e: {  	s18 =	sld [smem:$0x3FDB];
	_ =	sdelay $0x1  }
0x9f: {  	s19 =	simm.s32 $_scs_section_size  }
0xa0: {  	s6 =	simm.s32 $_size__tile_overlayer_lowered;
	s7 =	simm.s32 $_tile_overlayer_lowered  }
0xa1: {  	s22 =	simm.s32 $0x1BFF;
	s21 =	sshll.u32 s7, $0x1;
	s4 =	sadd.s32 s19, s18  }
0xa2: {  	s8 =	simm.s32 $0x0;
	s20 =	sshll.u32 s6, $0x1;
	s6 =	sadd.s32 s21, s4  }
0xa3: {  	[timem:s8], [sflag:s22] =	dma.local [hbm:s6], s20  }
0xa4: {  	_ =	swait.ge [sflag:s22], s20  }
0xa5: {  	s5 =	ssub.s32 $0x0, s20;
	[sflag:s22] =	ssyncset.done $0x0  }
0xa6: {  	[sflag:s22] =	ssyncadd.s32 s5;
	_ =	sdelay $0x1  }
0xa7: {  	s23 =	simm.s32 $0x1B8B  }
0xa8: {  	_ =	swait.ge [sflag:s23], $0x1  }
0xa9: {  	[sflag:s23] =	ssyncset.done $0x0  }
0xaa: {  	s25 =	simm.s32 $0x1B8E;
	s24 =	sld [smem:$0x3FFE];
	[sflag:s23] =	ssyncadd.s32 $0xFFFFFFFF  }
0xab: {  	s26 =	simm.s32 $execute0_lowered;
	[smem:$0x3FD2] =	sst s25  }
0xac: {  	s6 =	sshll.u32 s26, $0x1;
	_ =	strace $0x80000046;
	[dreg:$0x1] =	wrdreg $0xFFFFFFFF  }
0xad: {  	s28 =	simm.s32 $_size_execute0_lowered;
	s4 =	sadd.s32 s4, s6;
	[dreg:$0x0] =	wrdreg $0x0  }
0xae: {  	s6 =	sshll.u32 s28, $0x1;
	[dreg:$0x2] =	wrdreg s4  }
0xaf: {  	[dreg:$0x3] =	wrdreg s6  }
0xb0: {  	[dreg:$0x4] =	wrdreg $0xC0  }
0xb1: {  	_ =	task [dreg:s8], $0x5FFFF  }
0xb2: {  	[dreg:$0x1] =	wrdreg $0xFFFFFFFF  }
0xb3: {  	[dreg:$0x0] =	wrdreg $0x60  }
0xb4: {  	[dreg:$0x2] =	wrdreg s15  }
0xb5: {  	[dreg:$0x3] =	wrdreg s16  }
0xb6: {  	[dreg:$0x4] =	wrdreg s24  }
0xb7: {  	[dreg:$0x5] =	wrdreg $0x9  }
0xb8: {  	_ =	task.clear_ibuf [dreg:s8], $0x6FFFF;
	_ =	strace $0x90000046  }
0xb9: {  	s29 =	simm.s32 $0x9;
	_ =	strace $0x80000048  }
0xba: {  	_ =	swait.ge [sflag:s29], $0x1  }
0xbb: {  	[sflag:s29] =	ssyncadd.s32 $0xFFFFFFFF  }
0xbc: {  	_ =	strace $0x90000048  }
0xbd: {  	_ =	sfence  }
0xbe: {  	s30 =	sld [smem:$0x0];
	_ =	sdelay $0x2  }
0xbf: {  	s31 =	sshll.u32 s1, $0xD;
	s1 =	sshrl.u32 s1, $0x2  }
0xc0: {  	s3 =	sand.u32 $0x4000, s31;
	s1 =	sadd.s32 s1, s30  }
0xc1: {  	s0 =	sor.u32 s3, s0;
	s1 =	sshll.u32 s1, $0x11  }
0xc2: {  	s0 =	sor.u32 s1, s0  }
0xc3: {  	s0 =	sadd.s32 $0x8F2B, s0  }
0xc4: {  	[sflag:s0] =	ssyncadd.remote.s32 $0x1  }
0xc5: {  	_ =	sfence.sel $0xFFFF  }
0xc6: {  	[dreg:$0x0] =	wrdreg $0xFFFFFFFF;
	(pc) =	sbr.abs _section_cstart, $3  }
0xc7: {  	[dreg:$0x1] =	wrdreg $0xFFFFFFFF  }
0xc8: {  	_ =	task.clear_ibuf [dreg:s8], $0x2FFFF;
	_ =	strace $0x9FFFFFFF  }
0xc9: {  	(tm) =	ssettm $0x7FFFFFFF  }
tec
execute0_lowered:
.L_overlay_start_1:
0x0: {  	(tag) =	ssettag $0x1  }
0x1: {  	s2 =	rddreg [dreg:$0x0]  }
0x2: {  	s3 =	rddreg [dreg:$0x1]  }
0x3: {  	s4 =	rddreg [dreg:$0x2]  }
0x4: {  	s0 =	rddreg [dreg:$0x3];
	s1 =	stileid.u32  }
0x5: {  	s5 =	srdreg.scid;
	_ =	strace $0x80000047;
	s8 =	simm.s32 $0x1  }
0x6: {  	s9 =	simm.s32 $0x1;
	s10 =	simm.s32 $0x3;
	s13 =	simm.s32 $0x0  }
0x7: {  	s12 =	simm.s32 $0x0;
	s6 =	sand.u32 $0x1, s5;
	s7 =	sshll.u32 s1, $0x1  }
0x8: {  	s4 =	sadd.s32 $0x3000, s4;
	s5 =	simm.s32 $0x1;
	s6 =	sor.u32 s7, s6  }
.Ltmp0:
0x9: {  	[sflag:s5] =	ssyncpa.u1 $0x0;
	p0 =	slt.u32 s6, $0x13;
	(pc) =	sbr.rel .LBB2_1-.Ltmp0, $4  }
0xa: {  	s7 =	simm.s32 $0x2;
	s8 =	simm.s32 @!p0 $0x0;
	p0 =	sne.s32 s6, $0x12  }
0xb: {  	[sflag:s7] =	ssyncpa.u1 $0x0;
	s6 =	smul.u32 $0x1900, s6;
	s9 =	simm.s32 @!p0 $0x0  }
0xc: {  	[sflag:s10] =	ssyncpa.u1 $0x0;
	s10 =	simm.s32 $0x0;
	s8 =	sadd.s32 s9, s8  }
0xd: {  	vm0 =	vmmov $0xffff;
	v0 =	vlaneseq.u32;
	p0 =	por $0x0, $0x0;
	s11 =	smov.u32 s6;
	s9 =	sadd.s32 $0x1, s8  }
.LBB2_4:
0xe: {  	vm1 =	vgt.s32 v1, $0x0;
	s15 =	sadd.s32 $0xFFFFFFF0, s15  }
0xf: {  	v1 =	vnsel vm1, $0x0, v1;
	p1 =	sgt.s32 s15, $0x0  }
0x10: {  	v1 =	vmin.u32 v1, $0x4E1FF;
	s15 =	simm.s32 @!p1 $0x0  }
0x11: {  	v2 =	vshll.u32 v1, $0x1;
	s15 =	smin.u32 s15, $0x10  }
0x12: {  	v1 =	vand.u32 $0x7F, v1;
	v2 =	vand.u32 $0xFFF00, v2;
	v3 =	vmov s15  }
0x13: {  	v1 =	vor.u32 v1, v2;
	vm1 =	vgt.u32 v3, v0  }
0x14: {  	v2 =	vnsel vm1, $0x7FFFFFFF, v1;
	_ =	sdelay $0x1  }
0x15: {  	s29 =	sand.u32 $0x3F00, s17;
	s16 =	sadd.s32 $0x10, s16;
	v1 =	vor.u32 $0x80, v1  }
0x16: {  	(ifvalue) =	ssetifvalue $0x7FFFFFFF;
	s16 =	sand.u32 $0x70, s16;
	s15 =	sadd.s32 s29, s14;
	v1 =	vnsel vm1, $0x7FFFFFFF, v1  }
0x17: {  	(ifvalue) =	ssetifvalue $0x7FFFFFFF;
	s15 =	sadd.s32 s16, s15  }
0x18: {  	[tilespmem:s15], [sflag:$0x1] =	stream.indirect_vreg.gather [hbm4b:s2+s10], $0x1, v2, vm0, $0x4038;
	[tilespmem:$0x9600] =	vst v63  }
0x19: {  	(ifvalue) =	ssetifvalue $0x7FFFFFFF  }
0x1a: {  	s30 =	sshll.u32 s13, $0x1;
	s15 =	sadd.s32 $0x80, s15;
	(ifvalue) =	ssetifvalue $0x7FFFFFFF  }
0x1b: {  	[tilespmem:s15], [sflag:$0x1] =	stream.indirect_vreg.gather [hbm4b:s2+s10], $0x1, v1, vm0, $0x4038;
	[tilespmem:$0x9600] =	vst v63  }
0x1c: {  	s31 =	sand.u32 $0x78, s13;
	s15 =	sand.u32 $0xFFFFFF00, s30  }
0x1d: {  	_ =	swait.ge [sflag:s5], $0x3200;
	s13 =	sor.u32 s31, s15  }
0x1e: {  	[sflag:s5] =	ssyncset.done $0x0;
	s13 =	sshrl.u32 s13, $0x3  }
0x1f: {  	[sflag:s5] =	ssyncadd.s32 $0xFFFFCE00;
	s13 =	sadd.s32 s4, s13  }
0x20: {  	[hbm:s13] =	stream.linear.scatter [tilespmem:s14], [sflag:$0x3], $0x3200, $0x38;
	[tilespmem:$0x9600] =	vst v63  }
.LBB2_5:
0x21: {  	s15 =	sadd.s32 $0x32000, s11  }
0x22: {  	p2 =	sgt.s32 s15, $0x4E1FF  }
0x23: {  	s15 =	smov.u32 @p2 s6;
	p2 =	sne.s32 s12, s9  }
.Ltmp1:
0x24: {  	p1 =	slt.u32 s12, $0x2;
	(pc) =	sbr.rel @!p2 .LBB2_6-.Ltmp1, $4  }
0x25: {  	s14 =	simm.s32 @!p1 $0x3  }
0x26: {  	s16 =	sadd.s32 $0x1, s12;
	_ =	swait.ge @!p1 [sflag:s14], $0x3200  }
0x27: {  	s13 =	smov.u32 s11;
	p0 =	por !p0, !p0;
	[sflag:s14] =	ssyncset.done @!p1 $0x0  }
0x28: {  	s12 =	smov.u32 s16;
	s11 =	smov.u32 s15;
	[sflag:s14] =	ssyncadd.s32 @!p1 $0xFFFFCE00  }
.LBB2_1:
0x29: {  	p1 =	sge.u32 s12, s8  }
0x2a: {  	s14 =	sxor.u32 @!p1 $0x1, s12  }
0x2b: {  	s14 =	smul.u32 @!p1 $0x6400, s14  }
0x2c: {  	s31 =	sadd.s32 $0xFFFFFFFF, s12;
	s15 =	sshrl.u32 @!p1 s11, $0x3  }
0x2d: {  	s16 =	sand.u32 @!p1 $0x7, s11;
	s15 =	sadd.s32 @!p1 s3, s15;
	s14 =	sshra.s32 @!p1 s14, $0x2  }
0x2e: {  	[tilespmem:s14], [sflag:$0x2] =	stream.linear.gather @!p1 [hbm4b:s15+s16], $0x1900, $0x38;
	[tilespmem:$0x9600] =	vst v63  }
0x2f: {  	p1 =	sge.u32 s31, s8  }
.Ltmp2:
0x30: {  	_ = 	snop;
	(pc) =	sbr.rel @p1 .LBB2_5-.Ltmp2, $1  }
0x31: {  	_ =	sdelay $0x3  }
0x32: {  	s14 =	simm.s32 $0x1  }
0x33: {  	s14 =	simm.s32 @!p0 $0x0  }
0x34: {  	_ =	swait.ge [sflag:s7], $0x1900;
	s14 =	smul.u32 $0x6400, s14  }
0x35: {  	[sflag:s7] =	ssyncset.done $0x0  }
0x36: {  	[sflag:s7] =	ssyncadd.s32 $0xFFFFE700;
	s17 =	sshrl.u32 s14, $0x2  }
0x37: {  	v1 =	vld.msk [tilespmem:s17+$0x0 ss:$0x1], $0xffff;
	_ =	sdelay $0x2  }
0x38: {  	s15 =	ssub.s32 $0x4E200, s13  }
0x39: {  	p1 =	slt.s32 s15, $0x1900  }
0x3a: {  	s15 =	simm.s32 @!p1 $0x1900;
	vm1 =	vgt.s32 v1, $0x0  }
0x3b: {  	p1 =	sgt.s32 s15, $0x0;
	s14 =	smov.u32 s15;
	v1 =	vnsel vm1, $0x0, v1  }
0x3c: {  	s14 =	simm.s32 @!p1 $0x0;
	v1 =	vmin.u32 v1, $0x4E1FF  }
0x3d: {  	s14 =	smin.u32 s14, $0x10;
	v2 =	vshll.u32 v1, $0x1  }
0x3e: {  	s16 =	sand.u32 $0x1, s12;
	v3 =	vmov s14;
	v1 =	vand.u32 $0x7F, v1;
	v2 =	vand.u32 $0xFFF00, v2  }
0x3f: {  	s31 =	smul.u32 $0xC800, s16;
	vm1 =	vgt.u32 v3, v0;
	v1 =	vor.u32 v1, v2  }
0x40: {  	v2 =	vnsel vm1, $0x7FFFFFFF, v1  }
0x41: {  	s16 =	simm.s32 $0x0;
	s14 =	sshrl.u32 s31, $0x2  }
0x42: {  	s18 =	sand.u32 $0x3F00, s16;
	s14 =	sadd.s32 $0x3200, s14;
	v1 =	vor.u32 $0x80, v1  }
0x43: {  	s19 =	sand.u32 $0x70, s16;
	(ifvalue) =	ssetifvalue $0x7FFFFFFF;
	s18 =	sadd.s32 s18, s14;
	v1 =	vnsel vm1, $0x7FFFFFFF, v1  }
0x44: {  	(ifvalue) =	ssetifvalue $0x7FFFFFFF;
	s18 =	sadd.s32 s19, s18  }
0x45: {  	[tilespmem:s18], [sflag:$0x1] =	stream.indirect_vreg.gather [hbm4b:s2+s10], $0x1, v2, vm0, $0x4038;
	[tilespmem:$0x9600] =	vst v63  }
0x46: {  	(ifvalue) =	ssetifvalue $0x7FFFFFFF  }
0x47: {  	s18 =	sadd.s32 $0x80, s18;
	(ifvalue) =	ssetifvalue $0x7FFFFFFF  }
0x48: {  	[tilespmem:s18], [sflag:$0x1] =	stream.indirect_vreg.gather [hbm4b:s2+s10], $0x1, v1, vm0, $0x4038;
	[tilespmem:$0x9600] =	vst v63  }
0x49: {  	s18 =	sadd.s32 $0x10, s17  }
0x4a: {  	v1 =	vld.msk [tilespmem:s18+$0x0 ss:$0x1], $0xffff  }
0x4b: {  	s19 =	simm.s32 $0x40;
	s17 =	simm.s32 $0x20  }
.LBB2_3:
0x4c: {  	p1 =	sne.s32 s19, $0x31E0;
	_ =	sdelay $0x2  }
0x4d: {  	vm1 =	vgt.s32 v1, $0x0;
	s15 =	sadd.s32 $0xFFFFFFF0, s15  }
0x4e: {  	v1 =	vnsel vm1, $0x0, v1;
	p2 =	sgt.s32 s15, $0x0;
	s20 =	smov.u32 s15  }
0x4f: {  	v1 =	vmin.u32 v1, $0x4E1FF;
	s20 =	simm.s32 @!p2 $0x0  }
0x50: {  	v2 =	vshll.u32 v1, $0x1;
	s20 =	smin.u32 s20, $0x10  }
0x51: {  	v1 =	vand.u32 $0x7F, v1;
	v2 =	vand.u32 $0xFFF00, v2;
	v3 =	vmov s20  }
0x52: {  	v1 =	vor.u32 v1, v2;
	vm1 =	vgt.u32 v3, v0  }
0x53: {  	v2 =	vnsel vm1, $0x7FFFFFFF, v1;
	_ =	sdelay $0x1  }
0x54: {  	s16 =	sadd.s32 $0x10, s16;
	s20 =	sand.u32 $0x3F00, s17;
	s17 =	smov.u32 s19;
	v1 =	vor.u32 $0x80, v1  }
0x55: {  	s21 =	sand.u32 $0x70, s16;
	s20 =	sadd.s32 s20, s14;
	v1 =	vnsel vm1, $0x7FFFFFFF, v1;
	(ifvalue) =	ssetifvalue $0x7FFFFFFF  }
0x56: {  	s20 =	sadd.s32 s21, s20;
	(ifvalue) =	ssetifvalue $0x7FFFFFFF  }
0x57: {  	[tilespmem:s20], [sflag:$0x1] =	stream.indirect_vreg.gather [hbm4b:s2+s10], $0x1, v2, vm0, $0x4038;
	[tilespmem:$0x9600] =	vst v63  }
0x58: {  	s18 =	sadd.s32 $0x10, s18;
	(ifvalue) =	ssetifvalue $0x7FFFFFFF  }
.Ltmp3:
0x59: {  	s20 =	sadd.s32 $0x80, s20;
	(ifvalue) =	ssetifvalue $0x7FFFFFFF;
	(pc) =	sbr.rel @p1 .LBB2_3-.Ltmp3, $3  }
0x5a: {  	[tilespmem:s20], [sflag:$0x1] =	stream.indirect_vreg.gather [hbm4b:s2+s10], $0x1, v1, vm0, $0x4038;
	[tilespmem:$0x9600] =	vst v63  }
0x5b: {  	v1 =	vld.msk [tilespmem:s18+$0x0 ss:$0x1], $0xffff;
	_ =	sdelay $0x1  }
0x5c: {  	s19 =	sadd.s32 $0x20, s19  }
.Ltmp4:
0x5d: {  	_ = 	snop;
	(pc) =	sbr.rel .LBB2_4-.Ltmp4, $1  }
0x5e: {  	_ =	sdelay $0x3  }
.LBB2_6:
0x5f: {  	_ =	sfence.sel $0x180000  }
0x60: {  	s2 =	simm.s32 $0x2;
	[bflag:$0x0] =	sbarrier.arrive $0xFFFF  }
0x61: {  	s30 =	simm.s32 $0x3;
	[sflag:s2] =	ssyncpa.u1 $0x1  }
0x62: {  	s31 =	simm.s32 $0x1;
	[sflag:s30] =	ssyncpa.u1 $0x1  }
0x63: {  	[sflag:s31] =	ssyncpa.u1 $0x1  }
0x64: {  	p0 =	sne.s32 s1, $0x0;
	_ =	strace $0x90000047  }
0x65: {  	s0 =	sadd.s32 @!p0 $0x100000, s0;
	[bflag:$0x2] =	sbarrier.arrive $0xFFFF  }
0x66: {  	[sflag:s0] =	ssyncadd.tile.s32 @!p0 $0x1;
	_ =	shalt  }
.Lfunc_end2:
_tile_overlayer_lowered:
.L_overlay_start_2:
0x67: {  	(tag) =	ssettag $0x2  }
0x68: {  	s0 =	rddreg [dreg:$0x0];
	s2 =	stileid.u32  }
0x69: {  	s1 =	rddreg [dreg:$0x1];
	p0 =	sne.s32 s2, $0x0  }
0x6a: {  	s3 =	rddreg [dreg:$0x2];
	[bflag:$0x3] =	sbarrier.arrive $0xFFFF;
	s2 =	simm.s32 @!p0 $0x1C01  }
0x6b: {  	[timem:s3], [sflag:s2] =	dma.local @!p0 [hbm:s0], s1  }
0x6c: {  	s0 =	simm.s32 @!p0 $0x1  }
0x6d: {  	_ =	swait.ge @!p0 [sflag:s0], s1  }
0x6e: {  	s1 =	ssub.s32 @!p0 $0x0, s1;
	[sflag:s0] =	ssyncset.done @!p0 $0x0  }
0x6f: {  	[sflag:s0] =	ssyncadd.s32 @!p0 s1  }
0x70: {  	[bflag:$0x3] =	sbarrier.arrive $0xFFFF  }
0x71: {  	_ =	shalt  }

// kernel: kernel.11.cloned.1.call-start
scs
__scs_entry_jumppad:
0x0: {  	(pc) =	sbr.rel $0x88, $3  }
0x1: {  	(tag) =	ssettag $0x0;
	lr =	simm.s32 $0x1  }
0x2: {  	[smem:$0x3F8A] =	sst lr;
	_ =	strace $0xD0000000  }
0x3: {  	_ = 	snop  }
0x4: {  	_ = 	snop  }
0x5: {  	_ = 	snop  }
0x6: {  	_ = 	snop  }
0x7: {  	_ = 	snop  }
__scs_overlays_trampoline_lowered:
0x8: {  	[smem:$0x3F99] =	sst s0  }
0x9: {  	[smem:$0x3F9A] =	sst s1  }
0xa: {  	[smem:$0x3F9B] =	sst s2  }
0xb: {  	[smem:$0x3F9C] =	sst s3  }
0xc: {  	[smem:$0x3F9D] =	sst s4  }
0xd: {  	[smem:$0x3F9E] =	sst s5  }
0xe: {  	[smem:$0x3F9F] =	sst s6  }
0xf: {  	[smem:$0x3FA0] =	sst s7  }
0x10: {  	[smem:$0x3FA1] =	sst s8  }
0x11: {  	[smem:$0x3FA2] =	sst s9;
	s0 =	simm.s32 @!p0 $0x0  }
0x12: {  	s1 =	sld [smem:$0x3F88];
	s0 =	simm.s32 @p0 $0x1  }
0x13: {  	[smem:$0x3FA3] =	sst s0;
	s0 =	simm.s32 @!p1 $0x0  }
0x14: {  	s2 =	sld [smem:$0x3F87];
	s0 =	simm.s32 @p1 $0x1  }
0x15: {  	[smem:$0x3FA4] =	sst s0;
	s0 =	simm.s32 @!p2 $0x0  }
0x16: {  	s3 =	sld [smem:$0x3FDB];
	s0 =	simm.s32 @p2 $0x1  }
0x17: {  	s4 =	simm.s32 $0x1BF5;
	[smem:$0x3FA6] =	sst s0  }
0x18: {  	s0 =	sld [smem:$0x3F89];
	_ =	swait.ge [sflag:s4], $0x0  }
0x19: {  	s7 =	sld [smem:$0x3F8A]  }
0x1a: {  	s8 =	sadd.s32 $0xFFFFE003, lr  }
0x1b: {  	s9 =	sadd.s32 $0xFFFFFEF7, lr;
	s5 =	simm.s32 $0xFFFFFFFF;
	p2 =	slt.u32 s8, $0xFFFFF086  }
0x1c: {  	p1 =	slt.u32 s9, $0xF7A;
	s5 =	simm.s32 @!p2 $0x0  }
0x1d: {  	s5 =	simm.s32 @p1 $0x1;
	p0 =	seq.s32 s7, s2  }
0x1e: {  	s7 =	smul.u32 @!p0 $0xF7A, s2;
	p2 =	seq.s32 @!p0 s5, $0x0  }
0x1f: {  	s9 =	smul.u32 $0xF7A, s1;
	s8 =	simm.s32 @!p0 $0x1BF5;
	p2 =	por !p2, p0  }
0x20: {  	[sflag:s8] =	ssyncset.s32 @!p0 $0xFFFFF086;
	s6 =	sadd.s32 @!p0 s3, s7;
	s7 =	simm.s32 @!p0 $0x108  }
0x21: {  	s3 =	sadd.s32 s3, s9;
	s6 =	sadd.s32 @!p0 $0x88, s6;
	s7 =	simm.s32 @p2 $0x1082  }
0x22: {  	[simem:s7], [sflag:s8] =	dma.local @!p0 [hbm:s6], $0xF7A  }
0x23: {  	s9 =	sor.u32 $0xD0000000, s2;
	s6 =	simm.s32 $0x108;
	_ =	swait.ge @!p0 [sflag:s8], $0x0  }
0x24: {  	s3 =	sadd.s32 $0x88, s3;
	s6 =	simm.s32 @!p1 $0x1082;
	[sflag:s4] =	ssyncset.s32 $0xFFFFF086  }
0x25: {  	[simem:s6], [sflag:s4] =	dma.local [hbm:s3], $0xF7A  }
0x26: {  	[smem:$0x3F8A] =	sst s1;
	(tag) =	ssettag s2;
	_ =	strace s9  }
0x27: {  	s1 =	sld [smem:$0x3F9A]  }
0x28: {  	s2 =	sld [smem:$0x3F9B]  }
0x29: {  	s4 =	sld [smem:$0x3F9D]  }
0x2a: {  	p0 =	seq.s32 s5, $0x0;
	s5 =	sld [smem:$0x3F9E]  }
0x2b: {  	s6 =	sld [smem:$0x3F9F]  }
0x2c: {  	s7 =	sld [smem:$0x3FA0]  }
0x2d: {  	s3 =	simm.s32 $0x108;
	s8 =	sld [smem:$0x3FA1]  }
0x2e: {  	s3 =	simm.s32 @!p0 $0x1082;
	s9 =	sld [smem:$0x3FA2]  }
0x2f: {  	lr =	sadd.s32 s0, s3;
	s0 =	sld [smem:$0x3F99]  }
0x30: {  	s3 =	sld [smem:$0x3F9C]  }
0x31: {  	[smem:$0x3FA5] =	sst s10  }
0x32: {  	s10 =	sld [smem:$0x3FA3];
	_ =	sdelay $0x3  }
0x33: {  	p0 =	seq.s32 s10, $0x1;
	s10 =	sld [smem:$0x3FA5];
	_ =	sdelay $0x3  }
0x34: {  	[smem:$0x3FA5] =	sst s10  }
0x35: {  	s10 =	sld [smem:$0x3FA4];
	_ =	sdelay $0x3  }
0x36: {  	p1 =	seq.s32 s10, $0x1;
	s10 =	sld [smem:$0x3FA5];
	_ =	sdelay $0x3  }
0x37: {  	[smem:$0x3FA5] =	sst s10  }
0x38: {  	s10 =	sld [smem:$0x3FA6]  }
0x39: {  	_ = 	snop;
	(pc) =	sbr.ind lr, $3  }
0x3a: {  	_ = 	snop  }
0x3b: {  	_ = 	snop  }
0x3c: {  	p2 =	seq.s32 s10, $0x1;
	s10 =	sld [smem:$0x3FA5]  }
0x3d: {  	_ =	shalt  }
0x3e: {  	_ =	shalt  }
0x3f: {  	_ =	shalt  }
0x40: {  	_ =	shalt  }
0x41: {  	_ =	shalt  }
0x42: {  	_ =	shalt  }
0x43: {  	_ =	shalt  }
0x44: {  	_ =	shalt  }
0x45: {  	_ =	shalt  }
0x46: {  	_ =	shalt  }
0x47: {  	_ =	shalt  }
0x48: {  	_ =	shalt  }
0x49: {  	_ =	shalt  }
0x4a: {  	_ =	shalt  }
0x4b: {  	_ =	shalt  }
0x4c: {  	_ =	shalt  }
0x4d: {  	_ =	shalt  }
0x4e: {  	_ =	shalt  }
0x4f: {  	_ =	shalt  }
0x50: {  	_ =	shalt  }
0x51: {  	_ =	shalt  }
0x52: {  	_ =	shalt  }
0x53: {  	_ =	shalt  }
0x54: {  	_ =	shalt  }
0x55: {  	_ =	shalt  }
0x56: {  	_ =	shalt  }
0x57: {  	_ =	shalt  }
0x58: {  	_ =	shalt  }
0x59: {  	_ =	shalt  }
0x5a: {  	_ =	shalt  }
0x5b: {  	_ =	shalt  }
0x5c: {  	_ =	shalt  }
0x5d: {  	_ =	shalt  }
0x5e: {  	_ =	shalt  }
0x5f: {  	_ =	shalt  }
0x60: {  	_ =	shalt  }
0x61: {  	_ =	shalt  }
0x62: {  	_ =	shalt  }
0x63: {  	_ =	shalt  }
0x64: {  	_ =	shalt  }
0x65: {  	_ =	shalt  }
0x66: {  	_ =	shalt  }
0x67: {  	_ =	shalt  }
0x68: {  	_ =	shalt  }
0x69: {  	_ =	shalt  }
0x6a: {  	_ =	shalt  }
0x6b: {  	_ =	shalt  }
0x6c: {  	_ =	shalt  }
0x6d: {  	_ =	shalt  }
0x6e: {  	_ =	shalt  }
0x6f: {  	_ =	shalt  }
0x70: {  	_ =	shalt  }
0x71: {  	_ =	shalt  }
0x72: {  	_ =	shalt  }
0x73: {  	_ =	shalt  }
0x74: {  	_ =	shalt  }
0x75: {  	_ =	shalt  }
0x76: {  	_ =	shalt  }
0x77: {  	_ =	shalt  }
0x78: {  	_ =	shalt  }
0x79: {  	_ =	shalt  }
0x7a: {  	_ =	shalt  }
0x7b: {  	_ =	shalt  }
0x7c: {  	_ =	shalt  }
0x7d: {  	_ =	shalt  }
0x7e: {  	_ =	shalt  }
0x7f: {  	_ =	shalt  }
0x80: {  	_ =	shalt  }
0x81: {  	_ =	shalt  }
0x82: {  	_ =	shalt  }
0x83: {  	_ =	shalt  }
0x84: {  	_ =	shalt  }
0x85: {  	_ =	shalt  }
0x86: {  	_ =	shalt  }
0x87: {  	_ =	shalt  }
.Lfunc_end0:
.L_simem_size_0:
called_computation.2_lowered:
.L_overlay_start_0:
0x88: {  	s2 =	sld [smem:$0x3FD9]  }
0x89: {  	s3 =	sld [smem:$0x3FFE];
	_ =	sdelay $0x1  }
0x8a: {  	s1 =	srdreg.scid  }
0x8b: {  	s0 =	sand.u32 $0x1, s1  }
0x8c: {  	s14 =	sshll.u32 s0, $0xA;
	s2 =	sadd.s32 s3, s2  }
0x8d: {  	s2 =	sadd.s32 s2, s14  }
0x8e: {  	[smem:$0x3FB1] =	sst s2  }
0x8f: {  	_ = 	snop  }
0x90: {  	s2 =	sld [smem:$0x3FD0];
	_ =	sdelay $0x2  }
0x91: {  	s15 =	simm.s32 $0xA;
	s4 =	simm.s32 $0x10  }
0x92: {  	[smem:s4], [sflag:s15] =	dma.local [hbm:s2], $0x1  }
0x93: {  	_ =	swait.eq [sflag:s15], $0x1  }
0x94: {  	[sflag:s15] =	ssyncset.done $0x0  }
0x95: {  	[sflag:s15] =	ssyncadd.s32 $0xFFFFFFFF  }
0x96: {  	s16 =	sld [smem:$0x12];
	(tm) =	ssettm $0x1  }
0x97: {  	s17 =	sld [smem:$0x3FFB];
	_ =	sdelay $0x3  }
0x98: {  	_ =	strace s17  }
0x99: {  	s3 =	sld [smem:$0x3FFC];
	_ =	sdelay $0x3  }
0x9a: {  	_ =	strace s3  }
0x9b: {  	s3 =	sld [smem:$0x3FFD];
	_ =	sdelay $0x3  }
0x9c: {  	_ =	strace s3  }
0x9d: {  	_ =	strace $0x8FFFFFFF  }
0x9e: {  	s18 =	sld [smem:$0x3FDB];
	_ =	sdelay $0x1  }
0x9f: {  	s19 =	simm.s32 $_scs_section_size  }
0xa0: {  	s5 =	simm.s32 $_size__tile_overlayer_lowered;
	s6 =	simm.s32 $_tile_overlayer_lowered  }
0xa1: {  	s22 =	simm.s32 $0x1BFF;
	s21 =	sshll.u32 s6, $0x1;
	s3 =	sadd.s32 s19, s18  }
0xa2: {  	s7 =	simm.s32 $0x0;
	s20 =	sshll.u32 s5, $0x1;
	s5 =	sadd.s32 s21, s3  }
0xa3: {  	[timem:s7], [sflag:s22] =	dma.local [hbm:s5], s20  }
0xa4: {  	_ =	swait.ge [sflag:s22], s20  }
0xa5: {  	s4 =	ssub.s32 $0x0, s20;
	[sflag:s22] =	ssyncset.done $0x0  }
0xa6: {  	[sflag:s22] =	ssyncadd.s32 s4;
	_ =	sdelay $0x1  }
0xa7: {  	s23 =	simm.s32 $0x1B8B  }
0xa8: {  	_ =	swait.ge [sflag:s23], $0x1  }
0xa9: {  	[sflag:s23] =	ssyncset.done $0x0  }
0xaa: {  	s25 =	simm.s32 $0x1B8E;
	s24 =	sld [smem:$0x3FFE];
	[sflag:s23] =	ssyncadd.s32 $0xFFFFFFFF  }
0xab: {  	s26 =	simm.s32 $execute0_lowered;
	[smem:$0x3FD2] =	sst s25  }
0xac: {  	s5 =	sshll.u32 s26, $0x1;
	_ =	strace $0x8000004C;
	[dreg:$0x1] =	wrdreg $0xFFFFFFFF  }
0xad: {  	s28 =	simm.s32 $_size_execute0_lowered;
	s3 =	sadd.s32 s3, s5;
	[dreg:$0x0] =	wrdreg $0x0  }
0xae: {  	s5 =	sshll.u32 s28, $0x1;
	[dreg:$0x2] =	wrdreg s3  }
0xaf: {  	[dreg:$0x3] =	wrdreg s5  }
0xb0: {  	[dreg:$0x4] =	wrdreg $0xC0  }
0xb1: {  	_ =	task [dreg:s7], $0x5FFFF  }
0xb2: {  	[dreg:$0x1] =	wrdreg $0xFFFFFFFF  }
0xb3: {  	[dreg:$0x0] =	wrdreg $0x60  }
0xb4: {  	[dreg:$0x2] =	wrdreg s16  }
0xb5: {  	[dreg:$0x3] =	wrdreg s24  }
0xb6: {  	[dreg:$0x4] =	wrdreg $0x21000  }
0xb7: {  	[dreg:$0x5] =	wrdreg $0x9  }
0xb8: {  	_ =	task.clear_ibuf [dreg:s7], $0x6FFFF;
	_ =	strace $0x9000004C  }
0xb9: {  	s29 =	simm.s32 $0x9;
	_ =	strace $0x8000004E  }
0xba: {  	_ =	swait.ge [sflag:s29], $0x1  }
0xbb: {  	[sflag:s29] =	ssyncadd.s32 $0xFFFFFFFF  }
0xbc: {  	_ =	strace $0x9000004E  }
0xbd: {  	_ =	sfence  }
0xbe: {  	s30 =	sld [smem:$0x0];
	_ =	sdelay $0x2  }
0xbf: {  	s31 =	sshll.u32 s1, $0xD;
	s1 =	sshrl.u32 s1, $0x2  }
0xc0: {  	s3 =	sand.u32 $0x4000, s31;
	s1 =	sadd.s32 s1, s30  }
0xc1: {  	s0 =	sor.u32 s3, s0;
	s1 =	sshll.u32 s1, $0x11  }
0xc2: {  	s0 =	sor.u32 s1, s0  }
0xc3: {  	s0 =	sadd.s32 $0x8F2B, s0  }
0xc4: {  	[sflag:s0] =	ssyncadd.remote.s32 $0x1  }
0xc5: {  	_ =	sfence.sel $0xFFFF  }
0xc6: {  	[dreg:$0x0] =	wrdreg $0xFFFFFFFF;
	(pc) =	sbr.abs _section_cstart, $3  }
0xc7: {  	[dreg:$0x1] =	wrdreg $0xFFFFFFFF  }
0xc8: {  	_ =	task.clear_ibuf [dreg:s7], $0x2FFFF;
	_ =	strace $0x9FFFFFFF  }
0xc9: {  	(tm) =	ssettm $0x7FFFFFFF  }
tec
execute0_lowered:
.L_overlay_start_1:
0x0: {  	(tag) =	ssettag $0x1  }
0x1: {  	s10 =	rddreg [dreg:$0x0]  }
0x2: {  	s5 =	rddreg [dreg:$0x1];
	s0 =	stileid.u32  }
0x3: {  	s1 =	srdreg.scid;
	s2 =	rddreg [dreg:$0x2];
	s3 =	simm.s32 $0x0  }
0x4: {  	s6 =	smul.u32 $0xA000, s0;
	s7 =	sand.u32 $0x1, s1;
	s1 =	rddreg [dreg:$0x3]  }
0x5: {  	[smem:$0x7FF] =	sst s3;
	s14 =	smul.u32 $0x4E, s0  }
0x6: {  	s15 =	sshll.u32 s0, $0x6;
	s4 =	smul.u32 $0xA0000, s7;
	_ =	strace $0x8000004D  }
0x7: {  	s11 =	ssub.s32 $0x2, s7;
	s29 =	sshll.u32 s7, $0x4;
	s7 =	smul.u32 $0x4E0, s7  }
0x8: {  	s8 =	sshrl.u32 s6, $0x3;
	s12 =	sshrl.u32 s11, $0x1;
	s13 =	sor.u32 s0, s29  }
0x9: {  	s30 =	sadd.s32 s6, s2;
	s9 =	sadd.s32 s6, s4;
	s4 =	sadd.s32 $0x3000, s5  }
0xa: {  	s8 =	sadd.s32 s8, s5;
	p0 =	slt.u32 s13, $0x4;
	s11 =	ssub.s32 s11, s12  }
0xb: {  	s14 =	sadd.s32 s14, s7;
	s13 =	smin.u32 s13, $0x4;
	s7 =	sor.u32 $0x1C02, s15  }
0xc: {  	s12 =	simm.s32 $0x2;
	s9 =	sshrl.u32 s9, $0x3;
	s6 =	sadd.s32 $0x17000, s8  }
0xd: {  	s13 =	sadd.s32 s13, s14;
	s9 =	sadd.s32 s9, s5;
	s5 =	simm.s32 $0x4F  }
0xe: {  	s31 =	sshll.u32 s13, $0x4;
	s5 =	simm.s32 @!p0 $0x4E;
	s8 =	sadd.s32 $0x2B000, s9  }
0xf: {  	s9 =	smax.u32 s11, $0x1;
	s10 =	sadd.s32 s31, s10;
	s11 =	sshrl.u32 s30, $0x3  }
.LBB2_1:
0x10: {  	[spmem:s11], [sflag:s7] =	dma.local [hbm:s6], $0x1400  }
0x11: {  	_ =	swait.ge [sflag:s12], $0x1400  }
0x12: {  	p0 =	sle.u32 s5, $0x0;
	[sflag:s12] =	ssyncset.done $0x0  }
0x13: {  	s13 =	simm.s32 @!p0 $0x80;
	s14 =	simm.s32 @!p0 $0x4E200;
	[sflag:s12] =	ssyncadd.s32 $0xFFFFEC00  }
0x14: {  	s15 =	simm.s32 @!p0 $0x0;
	s16 =	simm.s32 @!p0 $0x3;
	[bflag:$0x0] =	sbarrier.arrive $0xFFFF  }
0x15: {  	[tilespmem:s15], [sflag:$0x3] =	stream.strided.gather @!p0 [hbm4b:s10+s13], $0x100, s14, s13, $0x38;
	[tilespmem:$0xC100] =	vst v63  }
0x16: {  	_ =	swait.ge @!p0 [sflag:s16], $0x100  }
0x17: {  	s14 =	simm.s32 @!p0 $0x100;
	[sflag:s16] =	ssyncset.done @!p0 $0x0  }
0x18: {  	[sflag:s16] =	ssyncadd.s32 @!p0 $0xFFFFFF00;
	s16 =	simm.s32 @!p0 $0x1;
	p0 =	por p0, p0  }
0x19: {  	[tilespmem:s14], [sflag:$0x1] =	stream.indirect.gather @!p0 [hbm4b:s4+s13], $0x40, s15, s13, $0xb8;
	[tilespmem:$0xC100] =	vst v63  }
0x1a: {  	_ =	swait.ge @!p0 [sflag:s16], $0x2000  }
0x1b: {  	[sflag:s16] =	ssyncset.done @!p0 $0x0  }
0x1c: {  	p1 =	sle.u32 s5, $0x1;
	s15 =	simm.s32 @!p0 $0x2;
	[sflag:s16] =	ssyncadd.s32 @!p0 $0xFFFFE000  }
0x1d: {  	[spmem:s2] =	stream.indirect.scatter.add.f32 @!p0 [tilespmem:s14], [sflag:$0x2], $0x40, s13, s13, $0xb8;
	[tilespmem:$0xC100] =	vst v63  }
0x1e: {  	s14 =	simm.s32 $0x2;
	s13 =	sadd.s32 $0x10, s10;
	_ =	swait.ge @!p0 [sflag:s15], $0x2000  }
.LBB2_2:
0x1f: {  	s16 =	simm.s32 @!p1 $0x80;
	s17 =	simm.s32 @!p1 $0x4E200;
	[sflag:s15] =	ssyncset.done @!p0 $0x0  }
0x20: {  	s18 =	simm.s32 @!p1 $0x0;
	s19 =	simm.s32 @!p1 $0x3;
	[sflag:s15] =	ssyncadd.s32 @!p0 $0xFFFFE000  }
0x21: {  	[tilespmem:s18], [sflag:$0x3] =	stream.strided.gather @!p1 [hbm4b:s13+s16], $0x100, s17, s16, $0x38;
	[tilespmem:$0xC100] =	vst v63  }
0x22: {  	s17 =	smov.u32 s14;
	s14 =	sadd.s32 $0x1, s14;
	_ =	swait.ge @!p1 [sflag:s19], $0x100  }
0x23: {  	s20 =	simm.s32 @!p1 $0x100;
	p2 =	sne.s32 s14, $0x4F;
	[sflag:s19] =	ssyncset.done @!p1 $0x0  }
0x24: {  	s15 =	simm.s32 @!p1 $0x1;
	p0 =	por p1, p1;
	[sflag:s19] =	ssyncadd.s32 @!p1 $0xFFFFFF00  }
0x25: {  	[tilespmem:s20], [sflag:$0x1] =	stream.indirect.gather @!p0 [hbm4b:s4+s16], $0x40, s18, s16, $0xb8;
	[tilespmem:$0xC100] =	vst v63  }
.Ltmp0:
0x26: {  	_ =	swait.ge @!p0 [sflag:s15], $0x2000;
	(pc) =	sbr.rel @p2 .LBB2_2-.Ltmp0, $4  }
0x27: {  	[sflag:s15] =	ssyncset.done @!p0 $0x0  }
0x28: {  	[sflag:s15] =	ssyncadd.s32 @!p0 $0xFFFFE000;
	s15 =	simm.s32 @!p0 $0x2  }
0x29: {  	[spmem:s2] =	stream.indirect.scatter.add.f32 @!p0 [tilespmem:s20], [sflag:$0x2], $0x40, s16, s16, $0xb8;
	[tilespmem:$0xC100] =	vst v63  }
0x2a: {  	s13 =	sadd.s32 $0x10, s13;
	p1 =	sge.u32 s17, s5;
	_ =	swait.ge @!p0 [sflag:s15], $0x2000  }
0x2b: {  	s14 =	simm.s32 @!p1 $0x80;
	s16 =	simm.s32 @!p1 $0x4E200;
	[sflag:s15] =	ssyncset.done @!p0 $0x0  }
0x2c: {  	s17 =	simm.s32 @!p1 $0x0;
	s18 =	simm.s32 @!p1 $0x3;
	[sflag:s15] =	ssyncadd.s32 @!p0 $0xFFFFE000  }
0x2d: {  	[tilespmem:s17], [sflag:$0x3] =	stream.strided.gather @!p1 [hbm4b:s13+s14], $0x100, s16, s14, $0x38;
	[tilespmem:$0xC100] =	vst v63  }
0x2e: {  	_ =	swait.ge @!p1 [sflag:s18], $0x100  }
0x2f: {  	s15 =	simm.s32 @!p1 $0x1;
	[sflag:s18] =	ssyncset.done @!p1 $0x0  }
0x30: {  	p0 =	por p1, p1;
	s13 =	simm.s32 @!p1 $0x100;
	[sflag:s18] =	ssyncadd.s32 @!p1 $0xFFFFFF00  }
0x31: {  	[tilespmem:s13], [sflag:$0x1] =	stream.indirect.gather @!p0 [hbm4b:s4+s14], $0x40, s17, s14, $0xb8;
	[tilespmem:$0xC100] =	vst v63  }
0x32: {  	_ =	swait.ge @!p0 [sflag:s15], $0x2000  }
0x33: {  	[sflag:s15] =	ssyncset.done @!p0 $0x0  }
0x34: {  	[sflag:s15] =	ssyncadd.s32 @!p0 $0xFFFFE000;
	s15 =	simm.s32 @!p0 $0x2  }
0x35: {  	[spmem:s2] =	stream.indirect.scatter.add.f32 @!p0 [tilespmem:s13], [sflag:$0x2], $0x40, s14, s14, $0xb8;
	[tilespmem:$0xC100] =	vst v63  }
0x36: {  	_ =	swait.ge @!p0 [sflag:s15], $0x2000  }
0x37: {  	s3 =	sadd.s32 $0x1, s3;
	[sflag:s15] =	ssyncset.done @!p0 $0x0  }
0x38: {  	[sflag:s15] =	ssyncadd.s32 @!p0 $0xFFFFE000;
	p0 =	sne.s32 s3, s9  }
.Ltmp1:
0x39: {  	[bflag:$0x0] =	sbarrier.arrive $0xFFFF;
	(pc) =	sbr.rel @p0 .LBB2_1-.Ltmp1, $4  }
0x3a: {  	[hbm:s8], [sflag:s7] =	dma.local [spmem:s11], $0x1400  }
0x3b: {  	_ =	swait.ge [sflag:s12], $0x1400  }
0x3c: {  	[sflag:s12] =	ssyncset.done $0x0  }
0x3d: {  	[sflag:s12] =	ssyncadd.s32 $0xFFFFEC00  }
0x3e: {  	_ =	sfence.sel $0x180000  }
0x3f: {  	[bflag:$0x0] =	sbarrier.arrive $0xFFFF  }
0x40: {  	p0 =	sne.s32 s0, $0x0;
	_ =	strace $0x9000004D  }
0x41: {  	s0 =	sadd.s32 @!p0 $0x100000, s1;
	[bflag:$0x2] =	sbarrier.arrive $0xFFFF  }
0x42: {  	[sflag:s0] =	ssyncadd.tile.s32 @!p0 $0x1;
	_ =	shalt  }
.Lfunc_end2:
_tile_overlayer_lowered:
.L_overlay_start_2:
0x43: {  	(tag) =	ssettag $0x2  }
0x44: {  	s0 =	rddreg [dreg:$0x0];
	s2 =	stileid.u32  }
0x45: {  	s1 =	rddreg [dreg:$0x1];
	p0 =	sne.s32 s2, $0x0  }
0x46: {  	s3 =	rddreg [dreg:$0x2];
	[bflag:$0x3] =	sbarrier.arrive $0xFFFF;
	s2 =	simm.s32 @!p0 $0x1C02  }
0x47: {  	[timem:s3], [sflag:s2] =	dma.local @!p0 [hbm:s0], s1  }
0x48: {  	s0 =	simm.s32 @!p0 $0x2  }
0x49: {  	_ =	swait.ge @!p0 [sflag:s0], s1  }
0x4a: {  	s1 =	ssub.s32 @!p0 $0x0, s1;
	[sflag:s0] =	ssyncset.done @!p0 $0x0  }
0x4b: {  	[sflag:s0] =	ssyncadd.s32 @!p0 s1  }
0x4c: {  	[bflag:$0x3] =	sbarrier.arrive $0xFFFF  }
0x4d: {  	_ =	shalt  }

// kernel: kernel.14.cloned.1.call-start
scs
__scs_entry_jumppad:
0x0: {  	(pc) =	sbr.rel $0x88, $3  }
0x1: {  	(tag) =	ssettag $0x0;
	lr =	simm.s32 $0x1  }
0x2: {  	[smem:$0x3F8A] =	sst lr;
	_ =	strace $0xD0000000  }
0x3: {  	_ = 	snop  }
0x4: {  	_ = 	snop  }
0x5: {  	_ = 	snop  }
0x6: {  	_ = 	snop  }
0x7: {  	_ = 	snop  }
__scs_overlays_trampoline_lowered:
0x8: {  	[smem:$0x3F99] =	sst s0  }
0x9: {  	[smem:$0x3F9A] =	sst s1  }
0xa: {  	[smem:$0x3F9B] =	sst s2  }
0xb: {  	[smem:$0x3F9C] =	sst s3  }
0xc: {  	[smem:$0x3F9D] =	sst s4  }
0xd: {  	[smem:$0x3F9E] =	sst s5  }
0xe: {  	[smem:$0x3F9F] =	sst s6  }
0xf: {  	[smem:$0x3FA0] =	sst s7  }
0x10: {  	[smem:$0x3FA1] =	sst s8  }
0x11: {  	[smem:$0x3FA2] =	sst s9;
	s0 =	simm.s32 @!p0 $0x0  }
0x12: {  	s1 =	sld [smem:$0x3F88];
	s0 =	simm.s32 @p0 $0x1  }
0x13: {  	[smem:$0x3FA3] =	sst s0;
	s0 =	simm.s32 @!p1 $0x0  }
0x14: {  	s2 =	sld [smem:$0x3F87];
	s0 =	simm.s32 @p1 $0x1  }
0x15: {  	[smem:$0x3FA4] =	sst s0;
	s0 =	simm.s32 @!p2 $0x0  }
0x16: {  	s3 =	sld [smem:$0x3FDB];
	s0 =	simm.s32 @p2 $0x1  }
0x17: {  	s4 =	simm.s32 $0x1BF5;
	[smem:$0x3FA6] =	sst s0  }
0x18: {  	s0 =	sld [smem:$0x3F89];
	_ =	swait.ge [sflag:s4], $0x0  }
0x19: {  	s7 =	sld [smem:$0x3F8A]  }
0x1a: {  	s8 =	sadd.s32 $0xFFFFE003, lr  }
0x1b: {  	s9 =	sadd.s32 $0xFFFFFEF7, lr;
	s5 =	simm.s32 $0xFFFFFFFF;
	p2 =	slt.u32 s8, $0xFFFFF086  }
0x1c: {  	p1 =	slt.u32 s9, $0xF7A;
	s5 =	simm.s32 @!p2 $0x0  }
0x1d: {  	s5 =	simm.s32 @p1 $0x1;
	p0 =	seq.s32 s7, s2  }
0x1e: {  	s7 =	smul.u32 @!p0 $0xF7A, s2;
	p2 =	seq.s32 @!p0 s5, $0x0  }
0x1f: {  	s9 =	smul.u32 $0xF7A, s1;
	s8 =	simm.s32 @!p0 $0x1BF5;
	p2 =	por !p2, p0  }
0x20: {  	[sflag:s8] =	ssyncset.s32 @!p0 $0xFFFFF086;
	s6 =	sadd.s32 @!p0 s3, s7;
	s7 =	simm.s32 @!p0 $0x108  }
0x21: {  	s3 =	sadd.s32 s3, s9;
	s6 =	sadd.s32 @!p0 $0x88, s6;
	s7 =	simm.s32 @p2 $0x1082  }
0x22: {  	[simem:s7], [sflag:s8] =	dma.local @!p0 [hbm:s6], $0xF7A  }
0x23: {  	s9 =	sor.u32 $0xD0000000, s2;
	s6 =	simm.s32 $0x108;
	_ =	swait.ge @!p0 [sflag:s8], $0x0  }
0x24: {  	s3 =	sadd.s32 $0x88, s3;
	s6 =	simm.s32 @!p1 $0x1082;
	[sflag:s4] =	ssyncset.s32 $0xFFFFF086  }
0x25: {  	[simem:s6], [sflag:s4] =	dma.local [hbm:s3], $0xF7A  }
0x26: {  	[smem:$0x3F8A] =	sst s1;
	(tag) =	ssettag s2;
	_ =	strace s9  }
0x27: {  	s1 =	sld [smem:$0x3F9A]  }
0x28: {  	s2 =	sld [smem:$0x3F9B]  }
0x29: {  	s4 =	sld [smem:$0x3F9D]  }
0x2a: {  	p0 =	seq.s32 s5, $0x0;
	s5 =	sld [smem:$0x3F9E]  }
0x2b: {  	s6 =	sld [smem:$0x3F9F]  }
0x2c: {  	s7 =	sld [smem:$0x3FA0]  }
0x2d: {  	s3 =	simm.s32 $0x108;
	s8 =	sld [smem:$0x3FA1]  }
0x2e: {  	s3 =	simm.s32 @!p0 $0x1082;
	s9 =	sld [smem:$0x3FA2]  }
0x2f: {  	lr =	sadd.s32 s0, s3;
	s0 =	sld [smem:$0x3F99]  }
0x30: {  	s3 =	sld [smem:$0x3F9C]  }
0x31: {  	[smem:$0x3FA5] =	sst s10  }
0x32: {  	s10 =	sld [smem:$0x3FA3];
	_ =	sdelay $0x3  }
0x33: {  	p0 =	seq.s32 s10, $0x1;
	s10 =	sld [smem:$0x3FA5];
	_ =	sdelay $0x3  }
0x34: {  	[smem:$0x3FA5] =	sst s10  }
0x35: {  	s10 =	sld [smem:$0x3FA4];
	_ =	sdelay $0x3  }
0x36: {  	p1 =	seq.s32 s10, $0x1;
	s10 =	sld [smem:$0x3FA5];
	_ =	sdelay $0x3  }
0x37: {  	[smem:$0x3FA5] =	sst s10  }
0x38: {  	s10 =	sld [smem:$0x3FA6]  }
0x39: {  	_ = 	snop;
	(pc) =	sbr.ind lr, $3  }
0x3a: {  	_ = 	snop  }
0x3b: {  	_ = 	snop  }
0x3c: {  	p2 =	seq.s32 s10, $0x1;
	s10 =	sld [smem:$0x3FA5]  }
0x3d: {  	_ =	shalt  }
0x3e: {  	_ =	shalt  }
0x3f: {  	_ =	shalt  }
0x40: {  	_ =	shalt  }
0x41: {  	_ =	shalt  }
0x42: {  	_ =	shalt  }
0x43: {  	_ =	shalt  }
0x44: {  	_ =	shalt  }
0x45: {  	_ =	shalt  }
0x46: {  	_ =	shalt  }
0x47: {  	_ =	shalt  }
0x48: {  	_ =	shalt  }
0x49: {  	_ =	shalt  }
0x4a: {  	_ =	shalt  }
0x4b: {  	_ =	shalt  }
0x4c: {  	_ =	shalt  }
0x4d: {  	_ =	shalt  }
0x4e: {  	_ =	shalt  }
0x4f: {  	_ =	shalt  }
0x50: {  	_ =	shalt  }
0x51: {  	_ =	shalt  }
0x52: {  	_ =	shalt  }
0x53: {  	_ =	shalt  }
0x54: {  	_ =	shalt  }
0x55: {  	_ =	shalt  }
0x56: {  	_ =	shalt  }
0x57: {  	_ =	shalt  }
0x58: {  	_ =	shalt  }
0x59: {  	_ =	shalt  }
0x5a: {  	_ =	shalt  }
0x5b: {  	_ =	shalt  }
0x5c: {  	_ =	shalt  }
0x5d: {  	_ =	shalt  }
0x5e: {  	_ =	shalt  }
0x5f: {  	_ =	shalt  }
0x60: {  	_ =	shalt  }
0x61: {  	_ =	shalt  }
0x62: {  	_ =	shalt  }
0x63: {  	_ =	shalt  }
0x64: {  	_ =	shalt  }
0x65: {  	_ =	shalt  }
0x66: {  	_ =	shalt  }
0x67: {  	_ =	shalt  }
0x68: {  	_ =	shalt  }
0x69: {  	_ =	shalt  }
0x6a: {  	_ =	shalt  }
0x6b: {  	_ =	shalt  }
0x6c: {  	_ =	shalt  }
0x6d: {  	_ =	shalt  }
0x6e: {  	_ =	shalt  }
0x6f: {  	_ =	shalt  }
0x70: {  	_ =	shalt  }
0x71: {  	_ =	shalt  }
0x72: {  	_ =	shalt  }
0x73: {  	_ =	shalt  }
0x74: {  	_ =	shalt  }
0x75: {  	_ =	shalt  }
0x76: {  	_ =	shalt  }
0x77: {  	_ =	shalt  }
0x78: {  	_ =	shalt  }
0x79: {  	_ =	shalt  }
0x7a: {  	_ =	shalt  }
0x7b: {  	_ =	shalt  }
0x7c: {  	_ =	shalt  }
0x7d: {  	_ =	shalt  }
0x7e: {  	_ =	shalt  }
0x7f: {  	_ =	shalt  }
0x80: {  	_ =	shalt  }
0x81: {  	_ =	shalt  }
0x82: {  	_ =	shalt  }
0x83: {  	_ =	shalt  }
0x84: {  	_ =	shalt  }
0x85: {  	_ =	shalt  }
0x86: {  	_ =	shalt  }
0x87: {  	_ =	shalt  }
.Lfunc_end0:
.L_simem_size_0:
called_computation.3_lowered:
.L_overlay_start_0:
0x88: {  	s2 =	sld [smem:$0x3FD9]  }
0x89: {  	s3 =	sld [smem:$0x3FFE];
	_ =	sdelay $0x1  }
0x8a: {  	s1 =	srdreg.scid  }
0x8b: {  	s0 =	sand.u32 $0x1, s1  }
0x8c: {  	s14 =	sshll.u32 s0, $0xA;
	s2 =	sadd.s32 s3, s2  }
0x8d: {  	s2 =	sadd.s32 s2, s14  }
0x8e: {  	[smem:$0x3FB1] =	sst s2  }
0x8f: {  	_ = 	snop  }
0x90: {  	s2 =	sld [smem:$0x3FD0];
	_ =	sdelay $0x2  }
0x91: {  	s15 =	simm.s32 $0xA;
	s4 =	simm.s32 $0x10  }
0x92: {  	[smem:s4], [sflag:s15] =	dma.local [hbm:s2], $0x1  }
0x93: {  	_ =	swait.eq [sflag:s15], $0x1  }
0x94: {  	[sflag:s15] =	ssyncset.done $0x0  }
0x95: {  	[sflag:s15] =	ssyncadd.s32 $0xFFFFFFFF  }
0x96: {  	s16 =	sld [smem:$0x12];
	(tm) =	ssettm $0x1  }
0x97: {  	s17 =	sld [smem:$0x3FFB];
	_ =	sdelay $0x3  }
0x98: {  	_ =	strace s17  }
0x99: {  	s3 =	sld [smem:$0x3FFC];
	_ =	sdelay $0x3  }
0x9a: {  	_ =	strace s3  }
0x9b: {  	s3 =	sld [smem:$0x3FFD];
	_ =	sdelay $0x3  }
0x9c: {  	_ =	strace s3  }
0x9d: {  	_ =	strace $0x8FFFFFFF  }
0x9e: {  	s18 =	sld [smem:$0x3FDB];
	_ =	sdelay $0x1  }
0x9f: {  	s19 =	simm.s32 $_scs_section_size  }
0xa0: {  	s5 =	simm.s32 $_size__tile_overlayer_lowered;
	s6 =	simm.s32 $_tile_overlayer_lowered  }
0xa1: {  	s22 =	simm.s32 $0x1BFF;
	s21 =	sshll.u32 s6, $0x1;
	s3 =	sadd.s32 s19, s18  }
0xa2: {  	s7 =	simm.s32 $0x0;
	s20 =	sshll.u32 s5, $0x1;
	s5 =	sadd.s32 s21, s3  }
0xa3: {  	[timem:s7], [sflag:s22] =	dma.local [hbm:s5], s20  }
0xa4: {  	_ =	swait.ge [sflag:s22], s20  }
0xa5: {  	s4 =	ssub.s32 $0x0, s20;
	[sflag:s22] =	ssyncset.done $0x0  }
0xa6: {  	[sflag:s22] =	ssyncadd.s32 s4;
	_ =	sdelay $0x1  }
0xa7: {  	s23 =	simm.s32 $0x1B8B  }
0xa8: {  	_ =	swait.ge [sflag:s23], $0x1  }
0xa9: {  	[sflag:s23] =	ssyncset.done $0x0  }
0xaa: {  	s25 =	simm.s32 $0x1B8E;
	s24 =	sld [smem:$0x3FFE];
	[sflag:s23] =	ssyncadd.s32 $0xFFFFFFFF  }
0xab: {  	s26 =	simm.s32 $execute0_lowered;
	[smem:$0x3FD2] =	sst s25  }
0xac: {  	s5 =	sshll.u32 s26, $0x1;
	_ =	strace $0x8000004F;
	[dreg:$0x1] =	wrdreg $0xFFFFFFFF  }
0xad: {  	s28 =	simm.s32 $_size_execute0_lowered;
	s3 =	sadd.s32 s3, s5;
	[dreg:$0x0] =	wrdreg $0x0  }
0xae: {  	s5 =	sshll.u32 s28, $0x1;
	[dreg:$0x2] =	wrdreg s3  }
0xaf: {  	[dreg:$0x3] =	wrdreg s5  }
0xb0: {  	[dreg:$0x4] =	wrdreg $0xC0  }
0xb1: {  	_ =	task [dreg:s7], $0x5FFFF  }
0xb2: {  	[dreg:$0x1] =	wrdreg $0xFFFFFFFF  }
0xb3: {  	[dreg:$0x0] =	wrdreg $0x60  }
0xb4: {  	[dreg:$0x2] =	wrdreg s16  }
0xb5: {  	[dreg:$0x3] =	wrdreg s24  }
0xb6: {  	[dreg:$0x4] =	wrdreg $0x21000  }
0xb7: {  	[dreg:$0x5] =	wrdreg $0x9  }
0xb8: {  	_ =	task.clear_ibuf [dreg:s7], $0x6FFFF;
	_ =	strace $0x9000004F  }
0xb9: {  	s29 =	simm.s32 $0x9;
	_ =	strace $0x80000051  }
0xba: {  	_ =	swait.ge [sflag:s29], $0x1  }
0xbb: {  	[sflag:s29] =	ssyncadd.s32 $0xFFFFFFFF  }
0xbc: {  	_ =	strace $0x90000051  }
0xbd: {  	_ =	sfence  }
0xbe: {  	s30 =	sld [smem:$0x0];
	_ =	sdelay $0x2  }
0xbf: {  	s31 =	sshll.u32 s1, $0xD;
	s1 =	sshrl.u32 s1, $0x2  }
0xc0: {  	s3 =	sand.u32 $0x4000, s31;
	s1 =	sadd.s32 s1, s30  }
0xc1: {  	s0 =	sor.u32 s3, s0;
	s1 =	sshll.u32 s1, $0x11  }
0xc2: {  	s0 =	sor.u32 s1, s0  }
0xc3: {  	s0 =	sadd.s32 $0x8F2B, s0  }
0xc4: {  	[sflag:s0] =	ssyncadd.remote.s32 $0x1  }
0xc5: {  	_ =	sfence.sel $0xFFFF  }
0xc6: {  	[dreg:$0x0] =	wrdreg $0xFFFFFFFF;
	(pc) =	sbr.abs _section_cstart, $3  }
0xc7: {  	[dreg:$0x1] =	wrdreg $0xFFFFFFFF  }
0xc8: {  	_ =	task.clear_ibuf [dreg:s7], $0x2FFFF;
	_ =	strace $0x9FFFFFFF  }
0xc9: {  	(tm) =	ssettm $0x7FFFFFFF  }
tec
execute0_lowered:
.L_overlay_start_1:
0x0: {  	(tag) =	ssettag $0x1  }
0x1: {  	s10 =	rddreg [dreg:$0x0]  }
0x2: {  	s5 =	rddreg [dreg:$0x1];
	s0 =	stileid.u32  }
0x3: {  	s1 =	srdreg.scid;
	s2 =	rddreg [dreg:$0x2];
	s3 =	simm.s32 $0x0  }
0x4: {  	s6 =	smul.u32 $0xA000, s0;
	s7 =	sand.u32 $0x1, s1;
	s1 =	rddreg [dreg:$0x3]  }
0x5: {  	[smem:$0x7FF] =	sst s3;
	s14 =	smul.u32 $0x4E, s0  }
0x6: {  	s15 =	sshll.u32 s0, $0x6;
	s4 =	smul.u32 $0xA0000, s7;
	_ =	strace $0x80000050  }
0x7: {  	s11 =	ssub.s32 $0x2, s7;
	s29 =	sshll.u32 s7, $0x4;
	s7 =	smul.u32 $0x4E0, s7  }
0x8: {  	s8 =	sshrl.u32 s6, $0x3;
	s12 =	sshrl.u32 s11, $0x1;
	s13 =	sor.u32 s0, s29  }
0x9: {  	s30 =	sadd.s32 s6, s2;
	s9 =	sadd.s32 s6, s4;
	s4 =	sadd.s32 $0x3000, s5  }
0xa: {  	s8 =	sadd.s32 s8, s5;
	p0 =	slt.u32 s13, $0x4;
	s11 =	ssub.s32 s11, s12  }
0xb: {  	s14 =	sadd.s32 s14, s7;
	s13 =	smin.u32 s13, $0x4;
	s7 =	sor.u32 $0x1C02, s15  }
0xc: {  	s12 =	simm.s32 $0x2;
	s9 =	sshrl.u32 s9, $0x3;
	s6 =	sadd.s32 $0x17000, s8  }
0xd: {  	s13 =	sadd.s32 s13, s14;
	s9 =	sadd.s32 s9, s5;
	s5 =	simm.s32 $0x4F  }
0xe: {  	s31 =	sshll.u32 s13, $0x4;
	s5 =	simm.s32 @!p0 $0x4E;
	s8 =	sadd.s32 $0x53000, s9  }
0xf: {  	s9 =	smax.u32 s11, $0x1;
	s10 =	sadd.s32 s31, s10;
	s11 =	sshrl.u32 s30, $0x3  }
.LBB2_1:
0x10: {  	[spmem:s11], [sflag:s7] =	dma.local [hbm:s6], $0x1400  }
0x11: {  	_ =	swait.ge [sflag:s12], $0x1400  }
0x12: {  	p0 =	sle.u32 s5, $0x0;
	[sflag:s12] =	ssyncset.done $0x0  }
0x13: {  	s13 =	simm.s32 @!p0 $0x80;
	s14 =	simm.s32 @!p0 $0x4E200;
	[sflag:s12] =	ssyncadd.s32 $0xFFFFEC00  }
0x14: {  	s15 =	simm.s32 @!p0 $0x0;
	s16 =	simm.s32 @!p0 $0x3;
	[bflag:$0x0] =	sbarrier.arrive $0xFFFF  }
0x15: {  	[tilespmem:s15], [sflag:$0x3] =	stream.strided.gather @!p0 [hbm4b:s10+s13], $0x100, s14, s13, $0x38;
	[tilespmem:$0xC100] =	vst v63  }
0x16: {  	_ =	swait.ge @!p0 [sflag:s16], $0x100  }
0x17: {  	s14 =	simm.s32 @!p0 $0x100;
	[sflag:s16] =	ssyncset.done @!p0 $0x0  }
0x18: {  	[sflag:s16] =	ssyncadd.s32 @!p0 $0xFFFFFF00;
	s16 =	simm.s32 @!p0 $0x1;
	p0 =	por p0, p0  }
0x19: {  	[tilespmem:s14], [sflag:$0x1] =	stream.indirect.gather @!p0 [hbm4b:s4+s13], $0x40, s15, s13, $0xb8;
	[tilespmem:$0xC100] =	vst v63  }
0x1a: {  	_ =	swait.ge @!p0 [sflag:s16], $0x2000  }
0x1b: {  	[sflag:s16] =	ssyncset.done @!p0 $0x0  }
0x1c: {  	p1 =	sle.u32 s5, $0x1;
	s15 =	simm.s32 @!p0 $0x2;
	[sflag:s16] =	ssyncadd.s32 @!p0 $0xFFFFE000  }
0x1d: {  	[spmem:s2] =	stream.indirect.scatter.add.f32 @!p0 [tilespmem:s14], [sflag:$0x2], $0x40, s13, s13, $0xb8;
	[tilespmem:$0xC100] =	vst v63  }
0x1e: {  	s14 =	simm.s32 $0x2;
	s13 =	sadd.s32 $0x10, s10;
	_ =	swait.ge @!p0 [sflag:s15], $0x2000  }
.LBB2_2:
0x1f: {  	s16 =	simm.s32 @!p1 $0x80;
	s17 =	simm.s32 @!p1 $0x4E200;
	[sflag:s15] =	ssyncset.done @!p0 $0x0  }
0x20: {  	s18 =	simm.s32 @!p1 $0x0;
	s19 =	simm.s32 @!p1 $0x3;
	[sflag:s15] =	ssyncadd.s32 @!p0 $0xFFFFE000  }
0x21: {  	[tilespmem:s18], [sflag:$0x3] =	stream.strided.gather @!p1 [hbm4b:s13+s16], $0x100, s17, s16, $0x38;
	[tilespmem:$0xC100] =	vst v63  }
0x22: {  	s17 =	smov.u32 s14;
	s14 =	sadd.s32 $0x1, s14;
	_ =	swait.ge @!p1 [sflag:s19], $0x100  }
0x23: {  	s20 =	simm.s32 @!p1 $0x100;
	p2 =	sne.s32 s14, $0x4F;
	[sflag:s19] =	ssyncset.done @!p1 $0x0  }
0x24: {  	s15 =	simm.s32 @!p1 $0x1;
	p0 =	por p1, p1;
	[sflag:s19] =	ssyncadd.s32 @!p1 $0xFFFFFF00  }
0x25: {  	[tilespmem:s20], [sflag:$0x1] =	stream.indirect.gather @!p0 [hbm4b:s4+s16], $0x40, s18, s16, $0xb8;
	[tilespmem:$0xC100] =	vst v63  }
.Ltmp0:
0x26: {  	_ =	swait.ge @!p0 [sflag:s15], $0x2000;
	(pc) =	sbr.rel @p2 .LBB2_2-.Ltmp0, $4  }
0x27: {  	[sflag:s15] =	ssyncset.done @!p0 $0x0  }
0x28: {  	[sflag:s15] =	ssyncadd.s32 @!p0 $0xFFFFE000;
	s15 =	simm.s32 @!p0 $0x2  }
0x29: {  	[spmem:s2] =	stream.indirect.scatter.add.f32 @!p0 [tilespmem:s20], [sflag:$0x2], $0x40, s16, s16, $0xb8;
	[tilespmem:$0xC100] =	vst v63  }
0x2a: {  	s13 =	sadd.s32 $0x10, s13;
	p1 =	sge.u32 s17, s5;
	_ =	swait.ge @!p0 [sflag:s15], $0x2000  }
0x2b: {  	s14 =	simm.s32 @!p1 $0x80;
	s16 =	simm.s32 @!p1 $0x4E200;
	[sflag:s15] =	ssyncset.done @!p0 $0x0  }
0x2c: {  	s17 =	simm.s32 @!p1 $0x0;
	s18 =	simm.s32 @!p1 $0x3;
	[sflag:s15] =	ssyncadd.s32 @!p0 $0xFFFFE000  }
0x2d: {  	[tilespmem:s17], [sflag:$0x3] =	stream.strided.gather @!p1 [hbm4b:s13+s14], $0x100, s16, s14, $0x38;
	[tilespmem:$0xC100] =	vst v63  }
0x2e: {  	_ =	swait.ge @!p1 [sflag:s18], $0x100  }
0x2f: {  	s15 =	simm.s32 @!p1 $0x1;
	[sflag:s18] =	ssyncset.done @!p1 $0x0  }
0x30: {  	p0 =	por p1, p1;
	s13 =	simm.s32 @!p1 $0x100;
	[sflag:s18] =	ssyncadd.s32 @!p1 $0xFFFFFF00  }
0x31: {  	[tilespmem:s13], [sflag:$0x1] =	stream.indirect.gather @!p0 [hbm4b:s4+s14], $0x40, s17, s14, $0xb8;
	[tilespmem:$0xC100] =	vst v63  }
0x32: {  	_ =	swait.ge @!p0 [sflag:s15], $0x2000  }
0x33: {  	[sflag:s15] =	ssyncset.done @!p0 $0x0  }
0x34: {  	[sflag:s15] =	ssyncadd.s32 @!p0 $0xFFFFE000;
	s15 =	simm.s32 @!p0 $0x2  }
0x35: {  	[spmem:s2] =	stream.indirect.scatter.add.f32 @!p0 [tilespmem:s13], [sflag:$0x2], $0x40, s14, s14, $0xb8;
	[tilespmem:$0xC100] =	vst v63  }
0x36: {  	_ =	swait.ge @!p0 [sflag:s15], $0x2000  }
0x37: {  	s3 =	sadd.s32 $0x1, s3;
	[sflag:s15] =	ssyncset.done @!p0 $0x0  }
0x38: {  	[sflag:s15] =	ssyncadd.s32 @!p0 $0xFFFFE000;
	p0 =	sne.s32 s3, s9  }
.Ltmp1:
0x39: {  	[bflag:$0x0] =	sbarrier.arrive $0xFFFF;
	(pc) =	sbr.rel @p0 .LBB2_1-.Ltmp1, $4  }
0x3a: {  	[hbm:s8], [sflag:s7] =	dma.local [spmem:s11], $0x1400  }
0x3b: {  	_ =	swait.ge [sflag:s12], $0x1400  }
0x3c: {  	[sflag:s12] =	ssyncset.done $0x0  }
0x3d: {  	[sflag:s12] =	ssyncadd.s32 $0xFFFFEC00  }
0x3e: {  	_ =	sfence.sel $0x180000  }
0x3f: {  	[bflag:$0x0] =	sbarrier.arrive $0xFFFF  }
0x40: {  	p0 =	sne.s32 s0, $0x0;
	_ =	strace $0x90000050  }
0x41: {  	s0 =	sadd.s32 @!p0 $0x100000, s1;
	[bflag:$0x2] =	sbarrier.arrive $0xFFFF  }
0x42: {  	[sflag:s0] =	ssyncadd.tile.s32 @!p0 $0x1;
	_ =	shalt  }
.Lfunc_end2:
_tile_overlayer_lowered:
.L_overlay_start_2:
0x43: {  	(tag) =	ssettag $0x2  }
0x44: {  	s0 =	rddreg [dreg:$0x0];
	s2 =	stileid.u32  }
0x45: {  	s1 =	rddreg [dreg:$0x1];
	p0 =	sne.s32 s2, $0x0  }
0x46: {  	s3 =	rddreg [dreg:$0x2];
	[bflag:$0x3] =	sbarrier.arrive $0xFFFF;
	s2 =	simm.s32 @!p0 $0x1C02  }
0x47: {  	[timem:s3], [sflag:s2] =	dma.local @!p0 [hbm:s0], s1  }
0x48: {  	s0 =	simm.s32 @!p0 $0x2  }
0x49: {  	_ =	swait.ge @!p0 [sflag:s0], s1  }
0x4a: {  	s1 =	ssub.s32 @!p0 $0x0, s1;
	[sflag:s0] =	ssyncset.done @!p0 $0x0  }
0x4b: {  	[sflag:s0] =	ssyncadd.s32 @!p0 s1  }
0x4c: {  	[bflag:$0x3] =	sbarrier.arrive $0xFFFF  }
0x4d: {  	_ =	shalt  }

// kernel: kernel.8.cloned.1.call-start
scs
__scs_entry_jumppad:
0x0: {  	(pc) =	sbr.rel $0x88, $3  }
0x1: {  	(tag) =	ssettag $0x0;
	lr =	simm.s32 $0x1  }
0x2: {  	[smem:$0x3F8A] =	sst lr;
	_ =	strace $0xD0000000  }
0x3: {  	_ = 	snop  }
0x4: {  	_ = 	snop  }
0x5: {  	_ = 	snop  }
0x6: {  	_ = 	snop  }
0x7: {  	_ = 	snop  }
__scs_overlays_trampoline_lowered:
0x8: {  	[smem:$0x3F99] =	sst s0  }
0x9: {  	[smem:$0x3F9A] =	sst s1  }
0xa: {  	[smem:$0x3F9B] =	sst s2  }
0xb: {  	[smem:$0x3F9C] =	sst s3  }
0xc: {  	[smem:$0x3F9D] =	sst s4  }
0xd: {  	[smem:$0x3F9E] =	sst s5  }
0xe: {  	[smem:$0x3F9F] =	sst s6  }
0xf: {  	[smem:$0x3FA0] =	sst s7  }
0x10: {  	[smem:$0x3FA1] =	sst s8  }
0x11: {  	[smem:$0x3FA2] =	sst s9;
	s0 =	simm.s32 @!p0 $0x0  }
0x12: {  	s1 =	sld [smem:$0x3F88];
	s0 =	simm.s32 @p0 $0x1  }
0x13: {  	[smem:$0x3FA3] =	sst s0;
	s0 =	simm.s32 @!p1 $0x0  }
0x14: {  	s2 =	sld [smem:$0x3F87];
	s0 =	simm.s32 @p1 $0x1  }
0x15: {  	[smem:$0x3FA4] =	sst s0;
	s0 =	simm.s32 @!p2 $0x0  }
0x16: {  	s3 =	sld [smem:$0x3FDB];
	s0 =	simm.s32 @p2 $0x1  }
0x17: {  	s4 =	simm.s32 $0x1BF5;
	[smem:$0x3FA6] =	sst s0  }
0x18: {  	s0 =	sld [smem:$0x3F89];
	_ =	swait.ge [sflag:s4], $0x0  }
0x19: {  	s7 =	sld [smem:$0x3F8A]  }
0x1a: {  	s8 =	sadd.s32 $0xFFFFE003, lr  }
0x1b: {  	s9 =	sadd.s32 $0xFFFFFEF7, lr;
	s5 =	simm.s32 $0xFFFFFFFF;
	p2 =	slt.u32 s8, $0xFFFFF086  }
0x1c: {  	p1 =	slt.u32 s9, $0xF7A;
	s5 =	simm.s32 @!p2 $0x0  }
0x1d: {  	s5 =	simm.s32 @p1 $0x1;
	p0 =	seq.s32 s7, s2  }
0x1e: {  	s7 =	smul.u32 @!p0 $0xF7A, s2;
	p2 =	seq.s32 @!p0 s5, $0x0  }
0x1f: {  	s9 =	smul.u32 $0xF7A, s1;
	s8 =	simm.s32 @!p0 $0x1BF5;
	p2 =	por !p2, p0  }
0x20: {  	[sflag:s8] =	ssyncset.s32 @!p0 $0xFFFFF086;
	s6 =	sadd.s32 @!p0 s3, s7;
	s7 =	simm.s32 @!p0 $0x108  }
0x21: {  	s3 =	sadd.s32 s3, s9;
	s6 =	sadd.s32 @!p0 $0x88, s6;
	s7 =	simm.s32 @p2 $0x1082  }
0x22: {  	[simem:s7], [sflag:s8] =	dma.local @!p0 [hbm:s6], $0xF7A  }
0x23: {  	s9 =	sor.u32 $0xD0000000, s2;
	s6 =	simm.s32 $0x108;
	_ =	swait.ge @!p0 [sflag:s8], $0x0  }
0x24: {  	s3 =	sadd.s32 $0x88, s3;
	s6 =	simm.s32 @!p1 $0x1082;
	[sflag:s4] =	ssyncset.s32 $0xFFFFF086  }
0x25: {  	[simem:s6], [sflag:s4] =	dma.local [hbm:s3], $0xF7A  }
0x26: {  	[smem:$0x3F8A] =	sst s1;
	(tag) =	ssettag s2;
	_ =	strace s9  }
0x27: {  	s1 =	sld [smem:$0x3F9A]  }
0x28: {  	s2 =	sld [smem:$0x3F9B]  }
0x29: {  	s4 =	sld [smem:$0x3F9D]  }
0x2a: {  	p0 =	seq.s32 s5, $0x0;
	s5 =	sld [smem:$0x3F9E]  }
0x2b: {  	s6 =	sld [smem:$0x3F9F]  }
0x2c: {  	s7 =	sld [smem:$0x3FA0]  }
0x2d: {  	s3 =	simm.s32 $0x108;
	s8 =	sld [smem:$0x3FA1]  }
0x2e: {  	s3 =	simm.s32 @!p0 $0x1082;
	s9 =	sld [smem:$0x3FA2]  }
0x2f: {  	lr =	sadd.s32 s0, s3;
	s0 =	sld [smem:$0x3F99]  }
0x30: {  	s3 =	sld [smem:$0x3F9C]  }
0x31: {  	[smem:$0x3FA5] =	sst s10  }
0x32: {  	s10 =	sld [smem:$0x3FA3];
	_ =	sdelay $0x3  }
0x33: {  	p0 =	seq.s32 s10, $0x1;
	s10 =	sld [smem:$0x3FA5];
	_ =	sdelay $0x3  }
0x34: {  	[smem:$0x3FA5] =	sst s10  }
0x35: {  	s10 =	sld [smem:$0x3FA4];
	_ =	sdelay $0x3  }
0x36: {  	p1 =	seq.s32 s10, $0x1;
	s10 =	sld [smem:$0x3FA5];
	_ =	sdelay $0x3  }
0x37: {  	[smem:$0x3FA5] =	sst s10  }
0x38: {  	s10 =	sld [smem:$0x3FA6]  }
0x39: {  	_ = 	snop;
	(pc) =	sbr.ind lr, $3  }
0x3a: {  	_ = 	snop  }
0x3b: {  	_ = 	snop  }
0x3c: {  	p2 =	seq.s32 s10, $0x1;
	s10 =	sld [smem:$0x3FA5]  }
0x3d: {  	_ =	shalt  }
0x3e: {  	_ =	shalt  }
0x3f: {  	_ =	shalt  }
0x40: {  	_ =	shalt  }
0x41: {  	_ =	shalt  }
0x42: {  	_ =	shalt  }
0x43: {  	_ =	shalt  }
0x44: {  	_ =	shalt  }
0x45: {  	_ =	shalt  }
0x46: {  	_ =	shalt  }
0x47: {  	_ =	shalt  }
0x48: {  	_ =	shalt  }
0x49: {  	_ =	shalt  }
0x4a: {  	_ =	shalt  }
0x4b: {  	_ =	shalt  }
0x4c: {  	_ =	shalt  }
0x4d: {  	_ =	shalt  }
0x4e: {  	_ =	shalt  }
0x4f: {  	_ =	shalt  }
0x50: {  	_ =	shalt  }
0x51: {  	_ =	shalt  }
0x52: {  	_ =	shalt  }
0x53: {  	_ =	shalt  }
0x54: {  	_ =	shalt  }
0x55: {  	_ =	shalt  }
0x56: {  	_ =	shalt  }
0x57: {  	_ =	shalt  }
0x58: {  	_ =	shalt  }
0x59: {  	_ =	shalt  }
0x5a: {  	_ =	shalt  }
0x5b: {  	_ =	shalt  }
0x5c: {  	_ =	shalt  }
0x5d: {  	_ =	shalt  }
0x5e: {  	_ =	shalt  }
0x5f: {  	_ =	shalt  }
0x60: {  	_ =	shalt  }
0x61: {  	_ =	shalt  }
0x62: {  	_ =	shalt  }
0x63: {  	_ =	shalt  }
0x64: {  	_ =	shalt  }
0x65: {  	_ =	shalt  }
0x66: {  	_ =	shalt  }
0x67: {  	_ =	shalt  }
0x68: {  	_ =	shalt  }
0x69: {  	_ =	shalt  }
0x6a: {  	_ =	shalt  }
0x6b: {  	_ =	shalt  }
0x6c: {  	_ =	shalt  }
0x6d: {  	_ =	shalt  }
0x6e: {  	_ =	shalt  }
0x6f: {  	_ =	shalt  }
0x70: {  	_ =	shalt  }
0x71: {  	_ =	shalt  }
0x72: {  	_ =	shalt  }
0x73: {  	_ =	shalt  }
0x74: {  	_ =	shalt  }
0x75: {  	_ =	shalt  }
0x76: {  	_ =	shalt  }
0x77: {  	_ =	shalt  }
0x78: {  	_ =	shalt  }
0x79: {  	_ =	shalt  }
0x7a: {  	_ =	shalt  }
0x7b: {  	_ =	shalt  }
0x7c: {  	_ =	shalt  }
0x7d: {  	_ =	shalt  }
0x7e: {  	_ =	shalt  }
0x7f: {  	_ =	shalt  }
0x80: {  	_ =	shalt  }
0x81: {  	_ =	shalt  }
0x82: {  	_ =	shalt  }
0x83: {  	_ =	shalt  }
0x84: {  	_ =	shalt  }
0x85: {  	_ =	shalt  }
0x86: {  	_ =	shalt  }
0x87: {  	_ =	shalt  }
.Lfunc_end0:
.L_simem_size_0:
called_computation.1_lowered:
.L_overlay_start_0:
0x88: {  	s2 =	sld [smem:$0x3FD9]  }
0x89: {  	s3 =	sld [smem:$0x3FFE];
	_ =	sdelay $0x1  }
0x8a: {  	s1 =	srdreg.scid  }
0x8b: {  	s0 =	sand.u32 $0x1, s1  }
0x8c: {  	s14 =	sshll.u32 s0, $0xA;
	s2 =	sadd.s32 s3, s2  }
0x8d: {  	s2 =	sadd.s32 s2, s14  }
0x8e: {  	[smem:$0x3FB1] =	sst s2  }
0x8f: {  	_ = 	snop  }
0x90: {  	s2 =	sld [smem:$0x3FD0];
	_ =	sdelay $0x2  }
0x91: {  	s15 =	simm.s32 $0xA;
	s4 =	simm.s32 $0x10  }
0x92: {  	[smem:s4], [sflag:s15] =	dma.local [hbm:s2], $0x1  }
0x93: {  	_ =	swait.eq [sflag:s15], $0x1  }
0x94: {  	[sflag:s15] =	ssyncset.done $0x0  }
0x95: {  	[sflag:s15] =	ssyncadd.s32 $0xFFFFFFFF  }
0x96: {  	s16 =	sld [smem:$0x12];
	(tm) =	ssettm $0x1  }
0x97: {  	s17 =	sld [smem:$0x3FFB];
	_ =	sdelay $0x3  }
0x98: {  	_ =	strace s17  }
0x99: {  	s3 =	sld [smem:$0x3FFC];
	_ =	sdelay $0x3  }
0x9a: {  	_ =	strace s3  }
0x9b: {  	s3 =	sld [smem:$0x3FFD];
	_ =	sdelay $0x3  }
0x9c: {  	_ =	strace s3  }
0x9d: {  	_ =	strace $0x8FFFFFFF  }
0x9e: {  	s18 =	sld [smem:$0x3FDB];
	_ =	sdelay $0x1  }
0x9f: {  	s19 =	simm.s32 $_scs_section_size  }
0xa0: {  	s5 =	simm.s32 $_size__tile_overlayer_lowered;
	s6 =	simm.s32 $_tile_overlayer_lowered  }
0xa1: {  	s22 =	simm.s32 $0x1BFF;
	s21 =	sshll.u32 s6, $0x1;
	s3 =	sadd.s32 s19, s18  }
0xa2: {  	s7 =	simm.s32 $0x0;
	s20 =	sshll.u32 s5, $0x1;
	s5 =	sadd.s32 s21, s3  }
0xa3: {  	[timem:s7], [sflag:s22] =	dma.local [hbm:s5], s20  }
0xa4: {  	_ =	swait.ge [sflag:s22], s20  }
0xa5: {  	s4 =	ssub.s32 $0x0, s20;
	[sflag:s22] =	ssyncset.done $0x0  }
0xa6: {  	[sflag:s22] =	ssyncadd.s32 s4;
	_ =	sdelay $0x1  }
0xa7: {  	s23 =	simm.s32 $0x1B8B  }
0xa8: {  	_ =	swait.ge [sflag:s23], $0x1  }
0xa9: {  	[sflag:s23] =	ssyncset.done $0x0  }
0xaa: {  	s25 =	simm.s32 $0x1B8E;
	s24 =	sld [smem:$0x3FFE];
	[sflag:s23] =	ssyncadd.s32 $0xFFFFFFFF  }
0xab: {  	s26 =	simm.s32 $execute0_lowered;
	[smem:$0x3FD2] =	sst s25  }
0xac: {  	s5 =	sshll.u32 s26, $0x1;
	_ =	strace $0x80000049;
	[dreg:$0x1] =	wrdreg $0xFFFFFFFF  }
0xad: {  	s28 =	simm.s32 $_size_execute0_lowered;
	s3 =	sadd.s32 s3, s5;
	[dreg:$0x0] =	wrdreg $0x0  }
0xae: {  	s5 =	sshll.u32 s28, $0x1;
	[dreg:$0x2] =	wrdreg s3  }
0xaf: {  	[dreg:$0x3] =	wrdreg s5  }
0xb0: {  	[dreg:$0x4] =	wrdreg $0xC0  }
0xb1: {  	_ =	task [dreg:s7], $0x5FFFF  }
0xb2: {  	[dreg:$0x1] =	wrdreg $0xFFFFFFFF  }
0xb3: {  	[dreg:$0x0] =	wrdreg $0x60  }
0xb4: {  	[dreg:$0x2] =	wrdreg s16  }
0xb5: {  	[dreg:$0x3] =	wrdreg s24  }
0xb6: {  	[dreg:$0x4] =	wrdreg $0x41000  }
0xb7: {  	[dreg:$0x5] =	wrdreg $0x9  }
0xb8: {  	_ =	task.clear_ibuf [dreg:s7], $0x6FFFF;
	_ =	strace $0x90000049  }
0xb9: {  	s29 =	simm.s32 $0x9;
	_ =	strace $0x8000004B  }
0xba: {  	_ =	swait.ge [sflag:s29], $0x1  }
0xbb: {  	[sflag:s29] =	ssyncadd.s32 $0xFFFFFFFF  }
0xbc: {  	_ =	strace $0x9000004B  }
0xbd: {  	_ =	sfence  }
0xbe: {  	s30 =	sld [smem:$0x0];
	_ =	sdelay $0x2  }
0xbf: {  	s31 =	sshll.u32 s1, $0xD;
	s1 =	sshrl.u32 s1, $0x2  }
0xc0: {  	s3 =	sand.u32 $0x4000, s31;
	s1 =	sadd.s32 s1, s30  }
0xc1: {  	s0 =	sor.u32 s3, s0;
	s1 =	sshll.u32 s1, $0x11  }
0xc2: {  	s0 =	sor.u32 s1, s0  }
0xc3: {  	s0 =	sadd.s32 $0x8F2B, s0  }
0xc4: {  	[sflag:s0] =	ssyncadd.remote.s32 $0x1  }
0xc5: {  	_ =	sfence.sel $0xFFFF  }
0xc6: {  	[dreg:$0x0] =	wrdreg $0xFFFFFFFF;
	(pc) =	sbr.abs _section_cstart, $3  }
0xc7: {  	[dreg:$0x1] =	wrdreg $0xFFFFFFFF  }
0xc8: {  	_ =	task.clear_ibuf [dreg:s7], $0x2FFFF;
	_ =	strace $0x9FFFFFFF  }
0xc9: {  	(tm) =	ssettm $0x7FFFFFFF  }
tec
execute0_lowered:
.L_overlay_start_1:
0x0: {  	(tag) =	ssettag $0x1  }
0x1: {  	s10 =	rddreg [dreg:$0x0]  }
0x2: {  	s5 =	rddreg [dreg:$0x1];
	s0 =	stileid.u32  }
0x3: {  	s1 =	srdreg.scid;
	s2 =	rddreg [dreg:$0x2];
	s3 =	simm.s32 $0x0  }
0x4: {  	s6 =	smul.u32 $0x14000, s0;
	s7 =	sand.u32 $0x1, s1;
	s1 =	rddreg [dreg:$0x3]  }
0x5: {  	[smem:$0x7FF] =	sst s3;
	s14 =	smul.u32 $0x4E, s0  }
0x6: {  	s15 =	sshll.u32 s0, $0x6;
	s4 =	smul.u32 $0x140000, s7;
	_ =	strace $0x8000004A  }
0x7: {  	s11 =	ssub.s32 $0x2, s7;
	s29 =	sshll.u32 s7, $0x4;
	s7 =	smul.u32 $0x4E0, s7  }
0x8: {  	s8 =	sshrl.u32 s6, $0x3;
	s12 =	sshrl.u32 s11, $0x1;
	s13 =	sor.u32 s0, s29  }
0x9: {  	s30 =	sadd.s32 s6, s2;
	s9 =	sadd.s32 s6, s4;
	s4 =	sadd.s32 $0x16A00, s5  }
0xa: {  	s8 =	sadd.s32 s8, s5;
	p0 =	slt.u32 s13, $0x4;
	s11 =	ssub.s32 s11, s12  }
0xb: {  	s14 =	sadd.s32 s14, s7;
	s13 =	smin.u32 s13, $0x4;
	s7 =	sor.u32 $0x1C02, s15  }
0xc: {  	s12 =	simm.s32 $0x2;
	s9 =	sshrl.u32 s9, $0x3;
	s6 =	sadd.s32 $0x3EA00, s8  }
0xd: {  	s13 =	sadd.s32 s13, s14;
	s9 =	sadd.s32 s9, s5;
	s5 =	simm.s32 $0x4F  }
0xe: {  	s31 =	sshll.u32 s13, $0x4;
	s5 =	simm.s32 @!p0 $0x4E;
	s8 =	sadd.s32 $0x66A00, s9  }
0xf: {  	s9 =	smax.u32 s11, $0x1;
	s10 =	sadd.s32 s31, s10;
	s11 =	sshrl.u32 s30, $0x3  }
.LBB2_1:
0x10: {  	[spmem:s11], [sflag:s7] =	dma.local [hbm:s6], $0x2800  }
0x11: {  	_ =	swait.ge [sflag:s12], $0x2800  }
0x12: {  	p0 =	sle.u32 s5, $0x0;
	[sflag:s12] =	ssyncset.done $0x0  }
0x13: {  	s13 =	simm.s32 @!p0 $0x80;
	s14 =	simm.s32 @!p0 $0x4E200;
	[sflag:s12] =	ssyncadd.s32 $0xFFFFD800  }
0x14: {  	s15 =	simm.s32 @!p0 $0x0;
	s16 =	simm.s32 @!p0 $0x3;
	[bflag:$0x0] =	sbarrier.arrive $0xFFFF  }
0x15: {  	[tilespmem:s15], [sflag:$0x3] =	stream.strided.gather @!p0 [hbm4b:s10+s13], $0x100, s14, s13, $0x38;
	[tilespmem:$0x18100] =	vst v63  }
0x16: {  	_ =	swait.ge @!p0 [sflag:s16], $0x100  }
0x17: {  	s14 =	simm.s32 @!p0 $0x100;
	[sflag:s16] =	ssyncset.done @!p0 $0x0  }
0x18: {  	[sflag:s16] =	ssyncadd.s32 @!p0 $0xFFFFFF00;
	s16 =	simm.s32 @!p0 $0x1;
	p0 =	por p0, p0  }
0x19: {  	[tilespmem:s14], [sflag:$0x1] =	stream.indirect.gather @!p0 [hbm4b:s4+s13], $0x80, s15, s13, $0xb8;
	[tilespmem:$0x18100] =	vst v63  }
0x1a: {  	_ =	swait.ge @!p0 [sflag:s16], $0x4000  }
0x1b: {  	[sflag:s16] =	ssyncset.done @!p0 $0x0  }
0x1c: {  	p1 =	sle.u32 s5, $0x1;
	s15 =	simm.s32 @!p0 $0x2;
	[sflag:s16] =	ssyncadd.s32 @!p0 $0xFFFFC000  }
0x1d: {  	[spmem:s2] =	stream.indirect.scatter.add.f32 @!p0 [tilespmem:s14], [sflag:$0x2], $0x80, s13, s13, $0xb8;
	[tilespmem:$0x18100] =	vst v63  }
0x1e: {  	s14 =	simm.s32 $0x2;
	s13 =	sadd.s32 $0x10, s10;
	_ =	swait.ge @!p0 [sflag:s15], $0x4000  }
.LBB2_2:
0x1f: {  	s16 =	simm.s32 @!p1 $0x80;
	s17 =	simm.s32 @!p1 $0x4E200;
	[sflag:s15] =	ssyncset.done @!p0 $0x0  }
0x20: {  	s18 =	simm.s32 @!p1 $0x0;
	s19 =	simm.s32 @!p1 $0x3;
	[sflag:s15] =	ssyncadd.s32 @!p0 $0xFFFFC000  }
0x21: {  	[tilespmem:s18], [sflag:$0x3] =	stream.strided.gather @!p1 [hbm4b:s13+s16], $0x100, s17, s16, $0x38;
	[tilespmem:$0x18100] =	vst v63  }
0x22: {  	s17 =	smov.u32 s14;
	s14 =	sadd.s32 $0x1, s14;
	_ =	swait.ge @!p1 [sflag:s19], $0x100  }
0x23: {  	s20 =	simm.s32 @!p1 $0x100;
	p2 =	sne.s32 s14, $0x4F;
	[sflag:s19] =	ssyncset.done @!p1 $0x0  }
0x24: {  	s15 =	simm.s32 @!p1 $0x1;
	p0 =	por p1, p1;
	[sflag:s19] =	ssyncadd.s32 @!p1 $0xFFFFFF00  }
0x25: {  	[tilespmem:s20], [sflag:$0x1] =	stream.indirect.gather @!p0 [hbm4b:s4+s16], $0x80, s18, s16, $0xb8;
	[tilespmem:$0x18100] =	vst v63  }
.Ltmp0:
0x26: {  	_ =	swait.ge @!p0 [sflag:s15], $0x4000;
	(pc) =	sbr.rel @p2 .LBB2_2-.Ltmp0, $4  }
0x27: {  	[sflag:s15] =	ssyncset.done @!p0 $0x0  }
0x28: {  	[sflag:s15] =	ssyncadd.s32 @!p0 $0xFFFFC000;
	s15 =	simm.s32 @!p0 $0x2  }
0x29: {  	[spmem:s2] =	stream.indirect.scatter.add.f32 @!p0 [tilespmem:s20], [sflag:$0x2], $0x80, s16, s16, $0xb8;
	[tilespmem:$0x18100] =	vst v63  }
0x2a: {  	s13 =	sadd.s32 $0x10, s13;
	p1 =	sge.u32 s17, s5;
	_ =	swait.ge @!p0 [sflag:s15], $0x4000  }
0x2b: {  	s14 =	simm.s32 @!p1 $0x80;
	s16 =	simm.s32 @!p1 $0x4E200;
	[sflag:s15] =	ssyncset.done @!p0 $0x0  }
0x2c: {  	s17 =	simm.s32 @!p1 $0x0;
	s18 =	simm.s32 @!p1 $0x3;
	[sflag:s15] =	ssyncadd.s32 @!p0 $0xFFFFC000  }
0x2d: {  	[tilespmem:s17], [sflag:$0x3] =	stream.strided.gather @!p1 [hbm4b:s13+s14], $0x100, s16, s14, $0x38;
	[tilespmem:$0x18100] =	vst v63  }
0x2e: {  	_ =	swait.ge @!p1 [sflag:s18], $0x100  }
0x2f: {  	s15 =	simm.s32 @!p1 $0x1;
	[sflag:s18] =	ssyncset.done @!p1 $0x0  }
0x30: {  	p0 =	por p1, p1;
	s13 =	simm.s32 @!p1 $0x100;
	[sflag:s18] =	ssyncadd.s32 @!p1 $0xFFFFFF00  }
0x31: {  	[tilespmem:s13], [sflag:$0x1] =	stream.indirect.gather @!p0 [hbm4b:s4+s14], $0x80, s17, s14, $0xb8;
	[tilespmem:$0x18100] =	vst v63  }
0x32: {  	_ =	swait.ge @!p0 [sflag:s15], $0x4000  }
0x33: {  	[sflag:s15] =	ssyncset.done @!p0 $0x0  }
0x34: {  	[sflag:s15] =	ssyncadd.s32 @!p0 $0xFFFFC000;
	s15 =	simm.s32 @!p0 $0x2  }
0x35: {  	[spmem:s2] =	stream.indirect.scatter.add.f32 @!p0 [tilespmem:s13], [sflag:$0x2], $0x80, s14, s14, $0xb8;
	[tilespmem:$0x18100] =	vst v63  }
0x36: {  	_ =	swait.ge @!p0 [sflag:s15], $0x4000  }
0x37: {  	s3 =	sadd.s32 $0x1, s3;
	[sflag:s15] =	ssyncset.done @!p0 $0x0  }
0x38: {  	[sflag:s15] =	ssyncadd.s32 @!p0 $0xFFFFC000;
	p0 =	sne.s32 s3, s9  }
.Ltmp1:
0x39: {  	[bflag:$0x0] =	sbarrier.arrive $0xFFFF;
	(pc) =	sbr.rel @p0 .LBB2_1-.Ltmp1, $4  }
0x3a: {  	[hbm:s8], [sflag:s7] =	dma.local [spmem:s11], $0x2800  }
0x3b: {  	_ =	swait.ge [sflag:s12], $0x2800  }
0x3c: {  	[sflag:s12] =	ssyncset.done $0x0  }
0x3d: {  	[sflag:s12] =	ssyncadd.s32 $0xFFFFD800  }
0x3e: {  	_ =	sfence.sel $0x180000  }
0x3f: {  	[bflag:$0x0] =	sbarrier.arrive $0xFFFF  }
0x40: {  	p0 =	sne.s32 s0, $0x0;
	_ =	strace $0x9000004A  }
0x41: {  	s0 =	sadd.s32 @!p0 $0x100000, s1;
	[bflag:$0x2] =	sbarrier.arrive $0xFFFF  }
0x42: {  	[sflag:s0] =	ssyncadd.tile.s32 @!p0 $0x1;
	_ =	shalt  }
.Lfunc_end2:
_tile_overlayer_lowered:
.L_overlay_start_2:
0x43: {  	(tag) =	ssettag $0x2  }
0x44: {  	s0 =	rddreg [dreg:$0x0];
	s2 =	stileid.u32  }
0x45: {  	s1 =	rddreg [dreg:$0x1];
	p0 =	sne.s32 s2, $0x0  }
0x46: {  	s3 =	rddreg [dreg:$0x2];
	[bflag:$0x3] =	sbarrier.arrive $0xFFFF;
	s2 =	simm.s32 @!p0 $0x1C02  }
0x47: {  	[timem:s3], [sflag:s2] =	dma.local @!p0 [hbm:s0], s1  }
0x48: {  	s0 =	simm.s32 @!p0 $0x2  }
0x49: {  	_ =	swait.ge @!p0 [sflag:s0], s1  }
0x4a: {  	s1 =	ssub.s32 @!p0 $0x0, s1;
	[sflag:s0] =	ssyncset.done @!p0 $0x0  }
0x4b: {  	[sflag:s0] =	ssyncadd.s32 @!p0 s1  }
0x4c: {  	[bflag:$0x3] =	sbarrier.arrive $0xFFFF  }
0x4d: {  	_ =	shalt  }

</sc_bundles>
